<compile_context>
chip_gen: v7x
topology: tpu7x:2x2x1
jax: 0.10.2.dev20260603
libtpu: 0.0.44.dev20260713+nightly
codegen_flags: <defaults>
</compile_context>

<pallas_src>
import functools

import jax
import jax.numpy as jnp
from jax import lax
from jax.experimental import pallas as pl
from jax.experimental.pallas import tpu as pltpu
from jax.experimental.pallas import tpu_sc as plsc

NC = 2
NS = 16
NW = NC * NS
K = 128


def _degree_kernel(n_pad, n_chunks):
    n_vec = n_chunks * K // 16
    mesh = plsc.VectorSubcoreMesh(core_axis_name="c", subcore_axis_name="s")

    @functools.partial(
        pl.kernel,
        out_type=jax.ShapeDtypeStruct((NW, n_pad), jnp.float32),
        mesh=mesh,
        scratch_types=[
            pltpu.VMEM((n_chunks * K,), jnp.int32),
            pltpu.VMEM((n_pad,), jnp.float32),
        ],
        compiler_params=pltpu.CompilerParams(needs_layout_passes=False),
    )
    def deg_kernel(dst_hbm, out_hbm, idx_v, deg_v):
        cid = lax.axis_index("c")
        sid = lax.axis_index("s")
        wid = cid * NS + sid
        pltpu.sync_copy(dst_hbm.at[wid], idx_v)
        zeros16 = jnp.zeros((16,), jnp.float32)
        ones16 = jnp.ones((16,), jnp.float32)

        def zbody(i, carry):
            deg_v[pl.ds(i * 16, 16)] = zeros16
            return carry

        lax.fori_loop(0, n_pad // 16, zbody, 0)

        def body(t, carry):
            iv = idx_v[pl.ds(t * 16, 16)]
            plsc.addupdate_scatter(deg_v, [iv], ones16)
            return carry

        lax.fori_loop(0, n_vec, body, 0)
        pltpu.sync_copy(deg_v, out_hbm.at[wid])

    return deg_kernel


def _agg_kernel(n_pad, n_chunks, d, tc_tiling=True):
    rows = n_pad // NS
    mesh = plsc.VectorSubcoreMesh(core_axis_name="c", subcore_axis_name="s")

    nh = n_chunks // 2

    @functools.partial(
        pl.kernel,
        out_type=jax.ShapeDtypeStruct((NC, n_pad, d), jnp.float32),
        mesh=mesh,
        scratch_types=[
            pltpu.VMEM((nh, K), jnp.int32),
            pltpu.VMEM((nh, K), jnp.int32),
            pltpu.VMEM((K, d), jnp.float32),
            pltpu.VMEM((K, d), jnp.float32),
            pltpu.VMEM_SHARED((n_pad, d), jnp.float32),
            pltpu.SemaphoreType.DMA,
            pltpu.SemaphoreType.DMA,
            pltpu.SemaphoreType.DMA,
            pltpu.SemaphoreType.DMA,
        ],
        compiler_params=pltpu.CompilerParams(use_tc_tiling_on_sc=tc_tiling),
    )
    def agg_kernel(src_hbm, dst_hbm, z_hbm, zeros_hbm, out_hbm,
                   src_v, dst_v, r0, r1, acc_sh, g0, g1, s0, s1):
        cid = lax.axis_index("c")
        sid = lax.axis_index("s")
        wid = cid * NS + sid
        sl = pl.ds(sid * rows, rows)
        pltpu.sync_copy(zeros_hbm.at[sl], acc_sh.at[sl])
        plsc.subcore_barrier()

        for half in range(2):
            pltpu.sync_copy(src_hbm.at[wid, pl.ds(half * nh, nh)], src_v)
            pltpu.sync_copy(dst_hbm.at[wid, pl.ds(half * nh, nh)], dst_v)
            pltpu.async_copy(z_hbm.at[src_v.at[0]], r0, g0).wait()

            def body(t, carry):
                j0 = 2 * t
                j1 = j0 + 1
                j2 = lax.rem(j0 + 2, nh)
                sd0 = pltpu.async_copy(r0, acc_sh.at[dst_v.at[j0]], s0,
                                       add=True)
                gd1 = pltpu.async_copy(z_hbm.at[src_v.at[j1]], r1, g1)
                gd1.wait()
                sd0.wait()
                sd1 = pltpu.async_copy(r1, acc_sh.at[dst_v.at[j1]], s1,
                                       add=True)
                gd2 = pltpu.async_copy(z_hbm.at[src_v.at[j2]], r0, g0)
                gd2.wait()
                sd1.wait()
                return carry

            lax.fori_loop(0, nh // 2, body, 0)
        plsc.subcore_barrier()
        pltpu.sync_copy(acc_sh.at[sl], out_hbm.at[cid, sl])

    return agg_kernel


def _agg_kernel_big(n_pad, n_chunks, d):
    rows = n_pad // NS
    bc = 4 * K
    nb = n_chunks // 4
    mesh = plsc.VectorSubcoreMesh(core_axis_name="c", subcore_axis_name="s")

    @functools.partial(
        pl.kernel,
        out_type=jax.ShapeDtypeStruct((NC, n_pad, d), jnp.float32),
        mesh=mesh,
        scratch_types=[
            pltpu.VMEM((n_chunks * K,), jnp.int32),
            pltpu.VMEM((n_chunks, K), jnp.int32),
            pltpu.VMEM((bc, d), jnp.float32),
            pltpu.VMEM((bc, d), jnp.float32),
            pltpu.VMEM_SHARED((n_pad, d), jnp.float32),
            pltpu.SemaphoreType.DMA,
            pltpu.SemaphoreType.DMA,
            pltpu.SemaphoreType.DMA,
            pltpu.SemaphoreType.DMA,
        ],
        compiler_params=pltpu.CompilerParams(use_tc_tiling_on_sc=False),
    )
    def agg_kernel(srcf_hbm, dst_hbm, z_hbm, zeros_hbm, out_hbm,
                   src_v, dst_v, r0, r1, acc_sh, g0, g1, s0, s1):
        cid = lax.axis_index("c")
        sid = lax.axis_index("s")
        wid = cid * NS + sid
        pltpu.sync_copy(srcf_hbm.at[wid], src_v)
        pltpu.sync_copy(dst_hbm.at[wid], dst_v)
        sl = pl.ds(sid * rows, rows)
        pltpu.sync_copy(zeros_hbm.at[sl], acc_sh.at[sl])
        plsc.subcore_barrier()

        def gather(j, r, sem):
            return pltpu.async_copy(
                z_hbm.at[src_v.at[pl.ds(j * bc, bc)]], r, sem)

        def scatter4(r, j, sem):
            return [
                pltpu.async_copy(r.at[pl.ds(q * K, K)],
                                 acc_sh.at[dst_v.at[4 * j + q]], sem,
                                 add=True)
                for q in range(4)
            ]

        gather(0, r0, g0).wait()

        def body(t, carry):
            j0 = 2 * t
            j1 = j0 + 1
            j2 = lax.rem(j0 + 2, nb)
            sd0 = scatter4(r0, j0, s0)
            gd1 = gather(j1, r1, g1)
            gd1.wait()
            for sd in sd0:
                sd.wait()
            sd1 = scatter4(r1, j1, s1)
            gd2 = gather(j2, r0, g0)
            gd2.wait()
            for sd in sd1:
                sd.wait()
            return carry

        lax.fori_loop(0, nb // 2, body, 0)
        plsc.subcore_barrier()
        pltpu.sync_copy(acc_sh.at[sl], out_hbm.at[cid, sl])

    return agg_kernel


def _dinv_body(p_ref, out_ref):
    deg = jnp.sum(p_ref[...], axis=0, keepdims=True) + 1.0
    out_ref[...] = lax.rsqrt(deg)


def _zw_body(x_ref, w_ref, dinv_ref, out_ref):
    xw = jnp.dot(x_ref[...], w_ref[...], preferred_element_type=jnp.float32)
    out_ref[...] = xw * dinv_ref[...]


def _mid_body(agg_ref, z1_ref, dinv_ref, b1_ref, w2_ref, out_ref):
    s = agg_ref[0] + agg_ref[1] + z1_ref[...]
    h = jnp.maximum(s * dinv_ref[...] + b1_ref[...], 0.0)
    hw = jnp.dot(h, w2_ref[...], preferred_element_type=jnp.float32)
    out_ref[...] = hw * dinv_ref[...]


def _final_body(agg_ref, z2_ref, dinv_ref, b2_ref, out_ref):
    s = agg_ref[0] + agg_ref[1] + z2_ref[...]
    out_ref[...] = s * dinv_ref[...] + b2_ref[...]


def kernel(x, edge_index, W1, b1, W2, b2):
    n, d_in = x.shape
    d_h = W1.shape[1]
    d_out = W2.shape[1]
    e = edge_index.shape[1]

    n_pad = ((n + 127) // 128) * 128
    n_extra = n_pad - n
    n_chunks = -(-e // (NW * K))
    n_chunks = -(-n_chunks // 8) * 8
    e_pad = NW * K * n_chunks

    ei = edge_index.astype(jnp.int32)
    pad = jnp.full((e_pad - e,), n, jnp.int32) + (
        jnp.arange(e_pad - e, dtype=jnp.int32) % jnp.int32(max(n_extra, 1)))
    src = jnp.concatenate([ei[0], pad]).reshape(NW, n_chunks, K)
    dst = jnp.concatenate([ei[1], pad]).reshape(NW, n_chunks, K)

    x_pad = jnp.concatenate([x, jnp.zeros((n_extra, d_in), x.dtype)])
    zeros_h = jnp.zeros((n_pad, d_h), jnp.float32)

    degp = _degree_kernel(n_pad, n_chunks)(dst.reshape(NW, n_chunks * K))

    dinv_row = pl.pallas_call(
        _dinv_body,
        out_shape=jax.ShapeDtypeStruct((1, n_pad), jnp.float32),
    )(degp)
    dinv_col = dinv_row.reshape(n_pad, 1)

    br = n_pad // 8
    grid = (n_pad // br,)

    z1 = pl.pallas_call(
        _zw_body,
        grid=grid,
        in_specs=[
            pl.BlockSpec((br, d_in), lambda i: (i, 0)),
            pl.BlockSpec((d_in, d_h), lambda i: (0, 0)),
            pl.BlockSpec((br, 1), lambda i: (i, 0)),
        ],
        out_specs=pl.BlockSpec((br, d_h), lambda i: (i, 0)),
        out_shape=jax.ShapeDtypeStruct((n_pad, d_h), jnp.float32),
    )(x_pad, W1, dinv_col)

    agg1 = _agg_kernel(n_pad, n_chunks, d_h)(src, dst, z1, zeros_h)

    z2 = pl.pallas_call(
        _mid_body,
        grid=grid,
        in_specs=[
            pl.BlockSpec((NC, br, d_h), lambda i: (0, i, 0)),
            pl.BlockSpec((br, d_h), lambda i: (i, 0)),
            pl.BlockSpec((br, 1), lambda i: (i, 0)),
            pl.BlockSpec((1, d_h), lambda i: (0, 0)),
            pl.BlockSpec((d_h, d_out), lambda i: (0, 0)),
        ],
        out_specs=pl.BlockSpec((br, d_out), lambda i: (i, 0)),
        out_shape=jax.ShapeDtypeStruct((n_pad, d_out), jnp.float32),
    )(agg1, z1, dinv_col, b1.reshape(1, d_h), W2)

    zeros_o = jnp.zeros((n_pad, d_out), jnp.float32)
    agg2 = _agg_kernel_big(n_pad, n_chunks, d_out)(
        src.reshape(NW, n_chunks * K), dst, z2, zeros_o)

    out = pl.pallas_call(
        _final_body,
        grid=grid,
        in_specs=[
            pl.BlockSpec((NC, br, d_out), lambda i: (0, i, 0)),
            pl.BlockSpec((br, d_out), lambda i: (i, 0)),
            pl.BlockSpec((br, 1), lambda i: (i, 0)),
            pl.BlockSpec((1, d_out), lambda i: (0, 0)),
        ],
        out_specs=pl.BlockSpec((br, d_out), lambda i: (i, 0)),
        out_shape=jax.ShapeDtypeStruct((n_pad, d_out), jnp.float32),
    )(agg2, z2, dinv_col, b2.reshape(1, d_out))

    return out[:n]

# --- scband reference (transcript-rebuilt; emitter-appended) ---
"""Pipeline reference for scband-symbiose-gnn-27685359190830 (READ-ONLY COPY).

The authoritative reference and input builder live on the scoring server;
editing this copy changes nothing except your own understanding.
"""

import jax, jax.numpy as jnp
import numpy as np

N = 10000
E = 320000
D_IN, D_H, D_OUT = 128, 128, 64


def setup_inputs(seed: int = 0) -> dict:
    key = jax.random.key(seed)
    k1, k2, k3, k4, k5 = jax.random.split(key, 5)
    x = jax.random.normal(k1, (N, D_IN), dtype=jnp.float32)
    edge_index = jax.random.randint(k2, (2, E), 0, N).astype(jnp.int64)
    W1 = jax.random.normal(k3, (D_IN, D_H), dtype=jnp.float32) * (1.0 / np.sqrt(D_IN))
    b1 = jnp.zeros((D_H,), dtype=jnp.float32)
    W2 = jax.random.normal(k4, (D_H, D_OUT), dtype=jnp.float32) * (1.0 / np.sqrt(D_H))
    b2 = jnp.zeros((D_OUT,), dtype=jnp.float32)
    return {"x": x, "edge_index": edge_index, "W1": W1, "b1": b1, "W2": W2, "b2": b2}


def gcn_conv(x, edge_index, W, b):
    # GCNConv: X' = D^{-1/2} (A + I) D^{-1/2} X W + b  (PyG semantics with self-loops)
    n = x.shape[0]
    loops = jnp.arange(n, dtype=edge_index.dtype)
    src = jnp.concatenate([edge_index[0], loops])
    dst = jnp.concatenate([edge_index[1], loops])
    deg = jnp.zeros((n,), dtype=x.dtype).at[dst].add(1.0)
    dinv = jnp.where(deg > 0, 1.0 / jnp.sqrt(deg), 0.0)
    norm = dinv[src] * dinv[dst]
    xw = x @ W
    msgs = jnp.take(xw, src, axis=0) * norm[:, None]
    out = jnp.zeros((n, W.shape[1]), dtype=x.dtype).at[dst].add(msgs)
    return out + b


def reference(x, edge_index, W1, b1, W2, b2):
    h = jax.nn.relu(gcn_conv(x, edge_index, W1, b1))
    out = gcn_conv(h, edge_index, W2, b2)
    return out

if __name__ == "__main__":
    import jax
    _d = setup_inputs()
    print(jax.jit(kernel)(*tuple(_d.values())))

</pallas_src>

<mosaic_0001>
#map = affine_map<(d0, d1) -> (0, 0)>
module attributes {stable_mosaic.version = 14 : i64} {
  func.func @deg_kernel(%arg0: i32, %arg1: i32, %arg2: memref<32x10240xi32, #tpu.memory_space<hbm>>, %arg3: memref<32x10112xf32, #tpu.memory_space<hbm>>, %arg4: memref<10240xi32, #tpu.memory_space<vmem>>, %arg5: memref<10112xf32, #tpu.memory_space<vmem>>) attributes {dimension_semantics = [#tpu.dimension_semantics<core_parallel>, #tpu.dimension_semantics<subcore_parallel>], iteration_bounds = array<i64: 2, 16>, scalar_prefetch = 0 : i64, scratch_operands = 2 : i64, tpu.core_type = #tpu.core_type<sc_vector_subcore>, window_params = [{transform_indices = #map}, {transform_indices = #map}]} {
    %mul3A = arith.constant 16 : i32
    %mul3A_0 = arith.muli %arg0, %mul3A : i32
    %add3A = arith.addi %mul3A_0, %arg1 : i32
    "tpu.region"() ({
      %run_scoped3A = tpu.sem_alloc : memref<!tpu.dma_semaphore, #tpu.memory_space<semaphore_mem>>
      %dma_start3A = arith.constant 0 : i32
      %dma_start3A_15 = tpu.memref_slice %arg2[%add3A, %dma_start3A] : memref<32x10240xi32, #tpu.memory_space<hbm>> -> memref<1x10240xi32, #tpu.memory_space<hbm>>
      %dma_start3A_16 = tpu.memref_squeeze %dma_start3A_15 : memref<1x10240xi32, #tpu.memory_space<hbm>> -> memref<10240xi32, #tpu.memory_space<hbm>>
      %dma_start3A_17 = arith.constant 0 : i32
      %dma_start3A_18 = tpu.memref_slice %arg2[%add3A, %dma_start3A_17] : memref<32x10240xi32, #tpu.memory_space<hbm>> -> memref<1x10240xi32, #tpu.memory_space<hbm>>
      %dma_start3A_19 = tpu.memref_squeeze %dma_start3A_18 : memref<1x10240xi32, #tpu.memory_space<hbm>> -> memref<10240xi32, #tpu.memory_space<hbm>>
      tpu.enqueue_dma source(%dma_start3A_19 : memref<10240xi32, #tpu.memory_space<hbm>>) target(%arg4 : memref<10240xi32, #tpu.memory_space<vmem>>) target_semaphore(%run_scoped3A : memref<!tpu.dma_semaphore, #tpu.memory_space<semaphore_mem>>)
      %dma_wait3A = arith.constant 0 : i32
      %dma_wait3A_20 = tpu.memref_slice %arg2[%add3A, %dma_wait3A] : memref<32x10240xi32, #tpu.memory_space<hbm>> -> memref<1x10240xi32, #tpu.memory_space<hbm>>
      %dma_wait3A_21 = tpu.memref_squeeze %dma_wait3A_20 : memref<1x10240xi32, #tpu.memory_space<hbm>> -> memref<10240xi32, #tpu.memory_space<hbm>>
      %dma_wait3A_22 = arith.constant 0 : i32
      %dma_wait3A_23 = tpu.memref_slice %arg2[%add3A, %dma_wait3A_22] : memref<32x10240xi32, #tpu.memory_space<hbm>> -> memref<1x10240xi32, #tpu.memory_space<hbm>>
      %dma_wait3A_24 = tpu.memref_squeeze %dma_wait3A_23 : memref<1x10240xi32, #tpu.memory_space<hbm>> -> memref<10240xi32, #tpu.memory_space<hbm>>
      tpu.wait_dma2 semaphore(%run_scoped3A : memref<!tpu.dma_semaphore, #tpu.memory_space<semaphore_mem>>) src(%dma_wait3A_24 : memref<10240xi32, #tpu.memory_space<hbm>>) dst(%arg4 : memref<10240xi32, #tpu.memory_space<vmem>>)
      tpu.yield
    }) : () -> ()
    %broadcast_in_dim3A = arith.constant 0.000000e+00 : f32
    %broadcast_in_dim3A_1 = vector.broadcast %broadcast_in_dim3A : f32 to vector<16xf32>
    %broadcast_in_dim3A_2 = arith.constant 1.000000e+00 : f32
    %broadcast_in_dim3A_3 = vector.broadcast %broadcast_in_dim3A_2 : f32 to vector<16xf32>
    %scan3A = arith.constant 0 : i32
    %scan3A_4 = arith.constant 0 : i32
    %scan3A_5 = arith.constant 632 : i32
    %scan3A_6 = arith.addi %scan3A_4, %scan3A_5 : i32
    %scan3A_7 = arith.constant 1 : i32
    scf.for %scan3A_15 = %scan3A_4 to %scan3A_6 step %scan3A_7  : i32 {
      %mul3A_16 = arith.constant 16 : i32
      %mul3A_17 = arith.muli %scan3A_15, %mul3A_16 : i32
      %swap3A = arith.index_cast %mul3A_17 : i32 to index
      %swap3A_18 = tpu.vector_load %arg5[%swap3A] {strides = array<i32>} : memref<10112xf32, #tpu.memory_space<vmem>>, vector<16xf32>,
      tpu.vector_store %arg5[%swap3A], %broadcast_in_dim3A_1 {strides = array<i32>} : memref<10112xf32, #tpu.memory_space<vmem>>, vector<16xf32>,
    }
    %scan3A_8 = arith.constant 632 : i32
    %scan3A_9 = arith.constant 0 : i32
    %scan3A_10 = arith.constant 0 : i32
    %scan3A_11 = arith.constant 640 : i32
    %scan3A_12 = arith.addi %scan3A_10, %scan3A_11 : i32
    %scan3A_13 = arith.constant 1 : i32
    scf.for %scan3A_15 = %scan3A_10 to %scan3A_12 step %scan3A_13  : i32 {
      %mul3A_16 = arith.constant 16 : i32
      %mul3A_17 = arith.muli %scan3A_15, %mul3A_16 : i32
      %get3A = arith.index_cast %mul3A_17 : i32 to index
      %get3A_18 = tpu.vector_load %arg4[%get3A] {strides = array<i32>} : memref<10240xi32, #tpu.memory_space<vmem>>, vector<16xi32>,
      tpu.vector_store_idx %arg5[%get3A_18], %broadcast_in_dim3A_3 {add = true} : memref<10112xf32, #tpu.memory_space<vmem>>[vector<16xi32>], vector<16xf32>,
    }
    %scan3A_14 = arith.constant 640 : i32
    "tpu.region"() ({
      %run_scoped3A = tpu.sem_alloc : memref<!tpu.dma_semaphore, #tpu.memory_space<semaphore_mem>>
      %dma_start3A = arith.constant 0 : i32
      %dma_start3A_15 = tpu.memref_slice %arg3[%add3A, %dma_start3A] : memref<32x10112xf32, #tpu.memory_space<hbm>> -> memref<1x10112xf32, #tpu.memory_space<hbm>>
      %dma_start3A_16 = tpu.memref_squeeze %dma_start3A_15 : memref<1x10112xf32, #tpu.memory_space<hbm>> -> memref<10112xf32, #tpu.memory_space<hbm>>
      %dma_start3A_17 = arith.constant 0 : i32
      %dma_start3A_18 = tpu.memref_slice %arg3[%add3A, %dma_start3A_17] : memref<32x10112xf32, #tpu.memory_space<hbm>> -> memref<1x10112xf32, #tpu.memory_space<hbm>>
      %dma_start3A_19 = tpu.memref_squeeze %dma_start3A_18 : memref<1x10112xf32, #tpu.memory_space<hbm>> -> memref<10112xf32, #tpu.memory_space<hbm>>
      tpu.enqueue_dma source(%arg5 : memref<10112xf32, #tpu.memory_space<vmem>>) target(%dma_start3A_19 : memref<10112xf32, #tpu.memory_space<hbm>>) target_semaphore(%run_scoped3A : memref<!tpu.dma_semaphore, #tpu.memory_space<semaphore_mem>>)
      %dma_wait3A = arith.constant 0 : i32
      %dma_wait3A_20 = tpu.memref_slice %arg3[%add3A, %dma_wait3A] : memref<32x10112xf32, #tpu.memory_space<hbm>> -> memref<1x10112xf32, #tpu.memory_space<hbm>>
      %dma_wait3A_21 = tpu.memref_squeeze %dma_wait3A_20 : memref<1x10112xf32, #tpu.memory_space<hbm>> -> memref<10112xf32, #tpu.memory_space<hbm>>
      %dma_wait3A_22 = arith.constant 0 : i32
      %dma_wait3A_23 = tpu.memref_slice %arg3[%add3A, %dma_wait3A_22] : memref<32x10112xf32, #tpu.memory_space<hbm>> -> memref<1x10112xf32, #tpu.memory_space<hbm>>
      %dma_wait3A_24 = tpu.memref_squeeze %dma_wait3A_23 : memref<1x10112xf32, #tpu.memory_space<hbm>> -> memref<10112xf32, #tpu.memory_space<hbm>>
      tpu.wait_dma2 semaphore(%run_scoped3A : memref<!tpu.dma_semaphore, #tpu.memory_space<semaphore_mem>>) src(%arg5 : memref<10112xf32, #tpu.memory_space<vmem>>) dst(%dma_wait3A_24 : memref<10112xf32, #tpu.memory_space<hbm>>)
      tpu.yield
    }) : () -> ()
    return
  }
}

#map = affine_map<(d0, d1) -> (0, 0)>
#map1 = affine_map<(d0, d1) -> (0, 0, 0)>
module attributes {stable_mosaic.version = 14 : i64} {
  func.func @agg_kernel(%arg0: i32, %arg1: i32, %arg2: memref<32x10240xi32, #tpu.memory_space<hbm>>, %arg3: memref<32x80x128xi32, #tpu.memory_space<hbm>>, %arg4: memref<10112x64xf32, #tpu.memory_space<hbm>>, %arg5: memref<10112x64xf32, #tpu.memory_space<hbm>>, %arg6: memref<2x10112x64xf32, #tpu.memory_space<hbm>>, %arg7: memref<10240xi32, #tpu.memory_space<vmem>>, %arg8: memref<80x128xi32, #tpu.memory_space<vmem>>, %arg9: memref<512x64xf32, #tpu.memory_space<vmem>>, %arg10: memref<512x64xf32, #tpu.memory_space<vmem>>, %arg11: memref<10112x64xf32, #tpu.memory_space<vmem_shared>>, %arg12: memref<!tpu.dma_semaphore, #tpu.memory_space<semaphore_mem>>, %arg13: memref<!tpu.dma_semaphore, #tpu.memory_space<semaphore_mem>>, %arg14: memref<!tpu.dma_semaphore, #tpu.memory_space<semaphore_mem>>, %arg15: memref<!tpu.dma_semaphore, #tpu.memory_space<semaphore_mem>>) attributes {dimension_semantics = [#tpu.dimension_semantics<core_parallel>, #tpu.dimension_semantics<subcore_parallel>], iteration_bounds = array<i64: 2, 16>, scalar_prefetch = 0 : i64, scratch_operands = 9 : i64, tpu.core_type = #tpu.core_type<sc_vector_subcore>, window_params = [{transform_indices = #map}, {transform_indices = #map1}, {transform_indices = #map}, {transform_indices = #map}, {transform_indices = #map1}]} {
    %mul3A = arith.constant 16 : i32
    %mul3A_0 = arith.muli %arg0, %mul3A : i32
    %add3A = arith.addi %mul3A_0, %arg1 : i32
    "tpu.region"() ({
      %run_scoped3A = tpu.sem_alloc : memref<!tpu.dma_semaphore, #tpu.memory_space<semaphore_mem>>
      %dma_start3A_17 = arith.constant 0 : i32
      %dma_start3A_18 = tpu.memref_slice %arg2[%add3A, %dma_start3A_17] : memref<32x10240xi32, #tpu.memory_space<hbm>> -> memref<1x10240xi32, #tpu.memory_space<hbm>>
      %dma_start3A_19 = tpu.memref_squeeze %dma_start3A_18 : memref<1x10240xi32, #tpu.memory_space<hbm>> -> memref<10240xi32, #tpu.memory_space<hbm>>
      %dma_start3A_20 = arith.constant 0 : i32
      %dma_start3A_21 = tpu.memref_slice %arg2[%add3A, %dma_start3A_20] : memref<32x10240xi32, #tpu.memory_space<hbm>> -> memref<1x10240xi32, #tpu.memory_space<hbm>>
      %dma_start3A_22 = tpu.memref_squeeze %dma_start3A_21 : memref<1x10240xi32, #tpu.memory_space<hbm>> -> memref<10240xi32, #tpu.memory_space<hbm>>
      tpu.enqueue_dma source(%dma_start3A_22 : memref<10240xi32, #tpu.memory_space<hbm>>) target(%arg7 : memref<10240xi32, #tpu.memory_space<vmem>>) target_semaphore(%run_scoped3A : memref<!tpu.dma_semaphore, #tpu.memory_space<semaphore_mem>>)
      %dma_wait3A_23 = arith.constant 0 : i32
      %dma_wait3A_24 = tpu.memref_slice %arg2[%add3A, %dma_wait3A_23] : memref<32x10240xi32, #tpu.memory_space<hbm>> -> memref<1x10240xi32, #tpu.memory_space<hbm>>
      %dma_wait3A_25 = tpu.memref_squeeze %dma_wait3A_24 : memref<1x10240xi32, #tpu.memory_space<hbm>> -> memref<10240xi32, #tpu.memory_space<hbm>>
      %dma_wait3A_26 = arith.constant 0 : i32
      %dma_wait3A_27 = tpu.memref_slice %arg2[%add3A, %dma_wait3A_26] : memref<32x10240xi32, #tpu.memory_space<hbm>> -> memref<1x10240xi32, #tpu.memory_space<hbm>>
      %dma_wait3A_28 = tpu.memref_squeeze %dma_wait3A_27 : memref<1x10240xi32, #tpu.memory_space<hbm>> -> memref<10240xi32, #tpu.memory_space<hbm>>
      tpu.wait_dma2 semaphore(%run_scoped3A : memref<!tpu.dma_semaphore, #tpu.memory_space<semaphore_mem>>) src(%dma_wait3A_28 : memref<10240xi32, #tpu.memory_space<hbm>>) dst(%arg7 : memref<10240xi32, #tpu.memory_space<vmem>>)
      tpu.yield
    }) : () -> ()
    "tpu.region"() ({
      %run_scoped3A = tpu.sem_alloc : memref<!tpu.dma_semaphore, #tpu.memory_space<semaphore_mem>>
      %dma_start3A_17 = arith.constant 0 : i32
      %dma_start3A_18 = arith.constant 0 : i32
      %dma_start3A_19 = tpu.memref_slice %arg3[%add3A, %dma_start3A_17, %dma_start3A_18] : memref<32x80x128xi32, #tpu.memory_space<hbm>> -> memref<1x80x128xi32, #tpu.memory_space<hbm>>
      %dma_start3A_20 = tpu.memref_squeeze %dma_start3A_19 : memref<1x80x128xi32, #tpu.memory_space<hbm>> -> memref<80x128xi32, #tpu.memory_space<hbm>>
      %dma_start3A_21 = arith.constant 0 : i32
      %dma_start3A_22 = arith.constant 0 : i32
      %dma_start3A_23 = tpu.memref_slice %arg3[%add3A, %dma_start3A_21, %dma_start3A_22] : memref<32x80x128xi32, #tpu.memory_space<hbm>> -> memref<1x80x128xi32, #tpu.memory_space<hbm>>
      %dma_start3A_24 = tpu.memref_squeeze %dma_start3A_23 : memref<1x80x128xi32, #tpu.memory_space<hbm>> -> memref<80x128xi32, #tpu.memory_space<hbm>>
      tpu.enqueue_dma source(%dma_start3A_24 : memref<80x128xi32, #tpu.memory_space<hbm>>) target(%arg8 : memref<80x128xi32, #tpu.memory_space<vmem>>) target_semaphore(%run_scoped3A : memref<!tpu.dma_semaphore, #tpu.memory_space<semaphore_mem>>)
      %dma_wait3A_25 = arith.constant 0 : i32
      %dma_wait3A_26 = arith.constant 0 : i32
      %dma_wait3A_27 = tpu.memref_slice %arg3[%add3A, %dma_wait3A_25, %dma_wait3A_26] : memref<32x80x128xi32, #tpu.memory_space<hbm>> -> memref<1x80x128xi32, #tpu.memory_space<hbm>>
      %dma_wait3A_28 = tpu.memref_squeeze %dma_wait3A_27 : memref<1x80x128xi32, #tpu.memory_space<hbm>> -> memref<80x128xi32, #tpu.memory_space<hbm>>
      %dma_wait3A_29 = arith.constant 0 : i32
      %dma_wait3A_30 = arith.constant 0 : i32
      %dma_wait3A_31 = tpu.memref_slice %arg3[%add3A, %dma_wait3A_29, %dma_wait3A_30] : memref<32x80x128xi32, #tpu.memory_space<hbm>> -> memref<1x80x128xi32, #tpu.memory_space<hbm>>
      %dma_wait3A_32 = tpu.memref_squeeze %dma_wait3A_31 : memref<1x80x128xi32, #tpu.memory_space<hbm>> -> memref<80x128xi32, #tpu.memory_space<hbm>>
      tpu.wait_dma2 semaphore(%run_scoped3A : memref<!tpu.dma_semaphore, #tpu.memory_space<semaphore_mem>>) src(%dma_wait3A_32 : memref<80x128xi32, #tpu.memory_space<hbm>>) dst(%arg8 : memref<80x128xi32, #tpu.memory_space<vmem>>)
      tpu.yield
    }) : () -> ()
    %mul3A_1 = arith.constant 632 : i32
    %mul3A_2 = arith.muli %arg1, %mul3A_1 : i32
    "tpu.region"() ({
      %run_scoped3A = tpu.sem_alloc : memref<!tpu.dma_semaphore, #tpu.memory_space<semaphore_mem>>
      %dma_start3A_17 = arith.constant 0 : i32
      %dma_start3A_18 = tpu.memref_slice %arg11[%mul3A_2, %dma_start3A_17] : memref<10112x64xf32, #tpu.memory_space<vmem_shared>> -> memref<632x64xf32, #tpu.memory_space<vmem_shared>>
      %dma_start3A_19 = arith.constant 0 : i32
      %dma_start3A_20 = tpu.memref_slice %arg5[%mul3A_2, %dma_start3A_19] : memref<10112x64xf32, #tpu.memory_space<hbm>> -> memref<632x64xf32, #tpu.memory_space<hbm>>
      tpu.enqueue_dma source(%dma_start3A_20 : memref<632x64xf32, #tpu.memory_space<hbm>>) target(%dma_start3A_18 : memref<632x64xf32, #tpu.memory_space<vmem_shared>>) target_semaphore(%run_scoped3A : memref<!tpu.dma_semaphore, #tpu.memory_space<semaphore_mem>>)
      %dma_wait3A_21 = arith.constant 0 : i32
      %dma_wait3A_22 = tpu.memref_slice %arg11[%mul3A_2, %dma_wait3A_21] : memref<10112x64xf32, #tpu.memory_space<vmem_shared>> -> memref<632x64xf32, #tpu.memory_space<vmem_shared>>
      %dma_wait3A_23 = arith.constant 0 : i32
      %dma_wait3A_24 = tpu.memref_slice %arg5[%mul3A_2, %dma_wait3A_23] : memref<10112x64xf32, #tpu.memory_space<hbm>> -> memref<632x64xf32, #tpu.memory_space<hbm>>
      tpu.wait_dma2 semaphore(%run_scoped3A : memref<!tpu.dma_semaphore, #tpu.memory_space<semaphore_mem>>) src(%dma_wait3A_24 : memref<632x64xf32, #tpu.memory_space<hbm>>) dst(%dma_wait3A_22 : memref<632x64xf32, #tpu.memory_space<vmem_shared>>)
      tpu.yield
    }) : () -> ()
    %barrier3A = arith.constant 0 : index
    tpu.barrier barrier_id(%barrier3A)
    %dma_start3A = arith.constant 0 : i32
    %dma_start3A_3 = tpu.memref_slice %arg7[%dma_start3A] : memref<10240xi32, #tpu.memory_space<vmem>> -> memref<512xi32, #tpu.memory_space<vmem>>
    %dma_start3A_4 = arith.constant 0 : i32
    %dma_start3A_5 = arith.constant 0 : i32
    %dma_start3A_6 = tpu.memref_slice %arg4[%dma_start3A_4, %dma_start3A_5] : memref<10112x64xf32, #tpu.memory_space<hbm>> -> memref<10112x64xf32, #tpu.memory_space<hbm>>
    tpu.enqueue_indirect_dma source(%dma_start3A_6 : memref<10112x64xf32, #tpu.memory_space<hbm>>) target(%arg9 : memref<512x64xf32, #tpu.memory_space<vmem>>) offsets(%dma_start3A_3 : memref<512xi32, #tpu.memory_space<vmem>>) semaphore(%arg12 : memref<!tpu.dma_semaphore, #tpu.memory_space<semaphore_mem>>)
    %dma_wait3A = arith.constant 0 : i32
    %dma_wait3A_7 = tpu.memref_slice %arg7[%dma_wait3A] : memref<10240xi32, #tpu.memory_space<vmem>> -> memref<512xi32, #tpu.memory_space<vmem>>
    %dma_wait3A_8 = arith.constant 0 : i32
    %dma_wait3A_9 = arith.constant 0 : i32
    %dma_wait3A_10 = tpu.memref_slice %arg4[%dma_wait3A_8, %dma_wait3A_9] : memref<10112x64xf32, #tpu.memory_space<hbm>> -> memref<10112x64xf32, #tpu.memory_space<hbm>>
    tpu.wait_indirect_dma semaphore(%arg12 : memref<!tpu.dma_semaphore, #tpu.memory_space<semaphore_mem>>) src(%dma_wait3A_10 : memref<10112x64xf32, #tpu.memory_space<hbm>>) dst(%arg9 : memref<512x64xf32, #tpu.memory_space<vmem>>)
    %scan3A = arith.constant 0 : i32
    %scan3A_11 = arith.constant 0 : i32
    %scan3A_12 = arith.constant 10 : i32
    %scan3A_13 = arith.addi %scan3A_11, %scan3A_12 : i32
    %scan3A_14 = arith.constant 1 : i32
    scf.for %scan3A_17 = %scan3A_11 to %scan3A_13 step %scan3A_14  : i32 {
      %mul3A_18 = arith.constant 2 : i32
      %mul3A_19 = arith.muli %mul3A_18, %scan3A_17 : i32
      %add3A_20 = arith.constant 1 : i32
      %add3A_21 = arith.addi %mul3A_19, %add3A_20 : i32
      %add3A_22 = arith.constant 2 : i32
      %add3A_23 = arith.addi %mul3A_19, %add3A_22 : i32
      %rem3A = arith.constant 20 : i32
      %rem3A_24 = arith.remsi %add3A_23, %rem3A : i32
      %mul3A_25 = arith.constant 4 : i32
      %mul3A_26 = arith.muli %mul3A_25, %mul3A_19 : i32
      %add3A_27 = arith.constant 0 : i32
      %add3A_28 = arith.addi %mul3A_26, %add3A_27 : i32
      %dma_start3A_29 = arith.constant 0 : i32
      %dma_start3A_30 = arith.constant 0 : i32
      %dma_start3A_31 = tpu.memref_slice %arg9[%dma_start3A_29, %dma_start3A_30] : memref<512x64xf32, #tpu.memory_space<vmem>> -> memref<128x64xf32, #tpu.memory_space<vmem>>
      %dma_start3A_32 = arith.constant 0 : i32
      %dma_start3A_33 = tpu.memref_slice %arg8[%add3A_28, %dma_start3A_32] : memref<80x128xi32, #tpu.memory_space<vmem>> -> memref<1x128xi32, #tpu.memory_space<vmem>>
      %dma_start3A_34 = tpu.memref_squeeze %dma_start3A_33 : memref<1x128xi32, #tpu.memory_space<vmem>> -> memref<128xi32, #tpu.memory_space<vmem>>
      %dma_start3A_35 = arith.constant 0 : i32
      %dma_start3A_36 = arith.constant 0 : i32
      %dma_start3A_37 = tpu.memref_slice %arg11[%dma_start3A_35, %dma_start3A_36] : memref<10112x64xf32, #tpu.memory_space<vmem_shared>> -> memref<10112x64xf32, #tpu.memory_space<vmem_shared>>
      tpu.enqueue_indirect_dma source(%dma_start3A_31 : memref<128x64xf32, #tpu.memory_space<vmem>>) target(%dma_start3A_37 : memref<10112x64xf32, #tpu.memory_space<vmem_shared>>) offsets(%dma_start3A_34 : memref<128xi32, #tpu.memory_space<vmem>>) semaphore(%arg14 : memref<!tpu.dma_semaphore, #tpu.memory_space<semaphore_mem>>) {add = true}
      %mul3A_38 = arith.constant 4 : i32
      %mul3A_39 = arith.muli %mul3A_38, %mul3A_19 : i32
      %add3A_40 = arith.constant 1 : i32
      %add3A_41 = arith.addi %mul3A_39, %add3A_40 : i32
      %dma_start3A_42 = arith.constant 128 : i32
      %dma_start3A_43 = arith.constant 0 : i32
      %dma_start3A_44 = tpu.memref_slice %arg9[%dma_start3A_42, %dma_start3A_43] : memref<512x64xf32, #tpu.memory_space<vmem>> -> memref<128x64xf32, #tpu.memory_space<vmem>>
      %dma_start3A_45 = arith.constant 0 : i32
      %dma_start3A_46 = tpu.memref_slice %arg8[%add3A_41, %dma_start3A_45] : memref<80x128xi32, #tpu.memory_space<vmem>> -> memref<1x128xi32, #tpu.memory_space<vmem>>
      %dma_start3A_47 = tpu.memref_squeeze %dma_start3A_46 : memref<1x128xi32, #tpu.memory_space<vmem>> -> memref<128xi32, #tpu.memory_space<vmem>>
      %dma_start3A_48 = arith.constant 0 : i32
      %dma_start3A_49 = arith.constant 0 : i32
      %dma_start3A_50 = tpu.memref_slice %arg11[%dma_start3A_48, %dma_start3A_49] : memref<10112x64xf32, #tpu.memory_space<vmem_shared>> -> memref<10112x64xf32, #tpu.memory_space<vmem_shared>>
      tpu.enqueue_indirect_dma source(%dma_start3A_44 : memref<128x64xf32, #tpu.memory_space<vmem>>) target(%dma_start3A_50 : memref<10112x64xf32, #tpu.memory_space<vmem_shared>>) offsets(%dma_start3A_47 : memref<128xi32, #tpu.memory_space<vmem>>) semaphore(%arg14 : memref<!tpu.dma_semaphore, #tpu.memory_space<semaphore_mem>>) {add = true}
      %mul3A_51 = arith.constant 4 : i32
      %mul3A_52 = arith.muli %mul3A_51, %mul3A_19 : i32
      %add3A_53 = arith.constant 2 : i32
      %add3A_54 = arith.addi %mul3A_52, %add3A_53 : i32
      %dma_start3A_55 = arith.constant 256 : i32
      %dma_start3A_56 = arith.constant 0 : i32
      %dma_start3A_57 = tpu.memref_slice %arg9[%dma_start3A_55, %dma_start3A_56] : memref<512x64xf32, #tpu.memory_space<vmem>> -> memref<128x64xf32, #tpu.memory_space<vmem>>
      %dma_start3A_58 = arith.constant 0 : i32
      %dma_start3A_59 = tpu.memref_slice %arg8[%add3A_54, %dma_start3A_58] : memref<80x128xi32, #tpu.memory_space<vmem>> -> memref<1x128xi32, #tpu.memory_space<vmem>>
      %dma_start3A_60 = tpu.memref_squeeze %dma_start3A_59 : memref<1x128xi32, #tpu.memory_space<vmem>> -> memref<128xi32, #tpu.memory_space<vmem>>
      %dma_start3A_61 = arith.constant 0 : i32
      %dma_start3A_62 = arith.constant 0 : i32
      %dma_start3A_63 = tpu.memref_slice %arg11[%dma_start3A_61, %dma_start3A_62] : memref<10112x64xf32, #tpu.memory_space<vmem_shared>> -> memref<10112x64xf32, #tpu.memory_space<vmem_shared>>
      tpu.enqueue_indirect_dma source(%dma_start3A_57 : memref<128x64xf32, #tpu.memory_space<vmem>>) target(%dma_start3A_63 : memref<10112x64xf32, #tpu.memory_space<vmem_shared>>) offsets(%dma_start3A_60 : memref<128xi32, #tpu.memory_space<vmem>>) semaphore(%arg14 : memref<!tpu.dma_semaphore, #tpu.memory_space<semaphore_mem>>) {add = true}
      %mul3A_64 = arith.constant 4 : i32
      %mul3A_65 = arith.muli %mul3A_64, %mul3A_19 : i32
      %add3A_66 = arith.constant 3 : i32
      %add3A_67 = arith.addi %mul3A_65, %add3A_66 : i32
      %dma_start3A_68 = arith.constant 384 : i32
      %dma_start3A_69 = arith.constant 0 : i32
      %dma_start3A_70 = tpu.memref_slice %arg9[%dma_start3A_68, %dma_start3A_69] : memref<512x64xf32, #tpu.memory_space<vmem>> -> memref<128x64xf32, #tpu.memory_space<vmem>>
      %dma_start3A_71 = arith.constant 0 : i32
      %dma_start3A_72 = tpu.memref_slice %arg8[%add3A_67, %dma_start3A_71] : memref<80x128xi32, #tpu.memory_space<vmem>> -> memref<1x128xi32, #tpu.memory_space<vmem>>
      %dma_start3A_73 = tpu.memref_squeeze %dma_start3A_72 : memref<1x128xi32, #tpu.memory_space<vmem>> -> memref<128xi32, #tpu.memory_space<vmem>>
      %dma_start3A_74 = arith.constant 0 : i32
      %dma_start3A_75 = arith.constant 0 : i32
      %dma_start3A_76 = tpu.memref_slice %arg11[%dma_start3A_74, %dma_start3A_75] : memref<10112x64xf32, #tpu.memory_space<vmem_shared>> -> memref<10112x64xf32, #tpu.memory_space<vmem_shared>>
      tpu.enqueue_indirect_dma source(%dma_start3A_70 : memref<128x64xf32, #tpu.memory_space<vmem>>) target(%dma_start3A_76 : memref<10112x64xf32, #tpu.memory_space<vmem_shared>>) offsets(%dma_start3A_73 : memref<128xi32, #tpu.memory_space<vmem>>) semaphore(%arg14 : memref<!tpu.dma_semaphore, #tpu.memory_space<semaphore_mem>>) {add = true}
      %mul3A_77 = arith.constant 512 : i32
      %mul3A_78 = arith.muli %add3A_21, %mul3A_77 : i32
      %dma_start3A_79 = tpu.memref_slice %arg7[%mul3A_78] : memref<10240xi32, #tpu.memory_space<vmem>> -> memref<512xi32, #tpu.memory_space<vmem>>
      %dma_start3A_80 = arith.constant 0 : i32
      %dma_start3A_81 = arith.constant 0 : i32
      %dma_start3A_82 = tpu.memref_slice %arg4[%dma_start3A_80, %dma_start3A_81] : memref<10112x64xf32, #tpu.memory_space<hbm>> -> memref<10112x64xf32, #tpu.memory_space<hbm>>
      tpu.enqueue_indirect_dma source(%dma_start3A_82 : memref<10112x64xf32, #tpu.memory_space<hbm>>) target(%arg10 : memref<512x64xf32, #tpu.memory_space<vmem>>) offsets(%dma_start3A_79 : memref<512xi32, #tpu.memory_space<vmem>>) semaphore(%arg13 : memref<!tpu.dma_semaphore, #tpu.memory_space<semaphore_mem>>)
      %dma_wait3A_83 = tpu.memref_slice %arg7[%mul3A_78] : memref<10240xi32, #tpu.memory_space<vmem>> -> memref<512xi32, #tpu.memory_space<vmem>>
      %dma_wait3A_84 = arith.constant 0 : i32
      %dma_wait3A_85 = arith.constant 0 : i32
      %dma_wait3A_86 = tpu.memref_slice %arg4[%dma_wait3A_84, %dma_wait3A_85] : memref<10112x64xf32, #tpu.memory_space<hbm>> -> memref<10112x64xf32, #tpu.memory_space<hbm>>
      tpu.wait_indirect_dma semaphore(%arg13 : memref<!tpu.dma_semaphore, #tpu.memory_space<semaphore_mem>>) src(%dma_wait3A_86 : memref<10112x64xf32, #tpu.memory_space<hbm>>) dst(%arg10 : memref<512x64xf32, #tpu.memory_space<vmem>>)
      %dma_wait3A_87 = arith.constant 0 : i32
      %dma_wait3A_88 = arith.constant 0 : i32
      %dma_wait3A_89 = tpu.memref_slice %arg9[%dma_wait3A_87, %dma_wait3A_88] : memref<512x64xf32, #tpu.memory_space<vmem>> -> memref<128x64xf32, #tpu.memory_space<vmem>>
      %dma_wait3A_90 = arith.constant 0 : i32
      %dma_wait3A_91 = tpu.memref_slice %arg8[%add3A_28, %dma_wait3A_90] : memref<80x128xi32, #tpu.memory_space<vmem>> -> memref<1x128xi32, #tpu.memory_space<vmem>>
      %dma_wait3A_92 = tpu.memref_squeeze %dma_wait3A_91 : memref<1x128xi32, #tpu.memory_space<vmem>> -> memref<128xi32, #tpu.memory_space<vmem>>
      %dma_wait3A_93 = arith.constant 0 : i32
      %dma_wait3A_94 = arith.constant 0 : i32
      %dma_wait3A_95 = tpu.memref_slice %arg11[%dma_wait3A_93, %dma_wait3A_94] : memref<10112x64xf32, #tpu.memory_space<vmem_shared>> -> memref<10112x64xf32, #tpu.memory_space<vmem_shared>>
      tpu.wait_indirect_dma semaphore(%arg14 : memref<!tpu.dma_semaphore, #tpu.memory_space<semaphore_mem>>) src(%dma_wait3A_89 : memref<128x64xf32, #tpu.memory_space<vmem>>) dst(%dma_wait3A_95 : memref<10112x64xf32, #tpu.memory_space<vmem_shared>>)
      %dma_wait3A_96 = arith.constant 128 : i32
      %dma_wait3A_97 = arith.constant 0 : i32
      %dma_wait3A_98 = tpu.memref_slice %arg9[%dma_wait3A_96, %dma_wait3A_97] : memref<512x64xf32, #tpu.memory_space<vmem>> -> memref<128x64xf32, #tpu.memory_space<vmem>>
      %dma_wait3A_99 = arith.constant 0 : i32
      %dma_wait3A_100 = tpu.memref_slice %arg8[%add3A_41, %dma_wait3A_99] : memref<80x128xi32, #tpu.memory_space<vmem>> -> memref<1x128xi32, #tpu.memory_space<vmem>>
      %dma_wait3A_101 = tpu.memref_squeeze %dma_wait3A_100 : memref<1x128xi32, #tpu.memory_space<vmem>> -> memref<128xi32, #tpu.memory_space<vmem>>
      %dma_wait3A_102 = arith.constant 0 : i32
      %dma_wait3A_103 = arith.constant 0 : i32
      %dma_wait3A_104 = tpu.memref_slice %arg11[%dma_wait3A_102, %dma_wait3A_103] : memref<10112x64xf32, #tpu.memory_space<vmem_shared>> -> memref<10112x64xf32, #tpu.memory_space<vmem_shared>>
      tpu.wait_indirect_dma semaphore(%arg14 : memref<!tpu.dma_semaphore, #tpu.memory_space<semaphore_mem>>) src(%dma_wait3A_98 : memref<128x64xf32, #tpu.memory_space<vmem>>) dst(%dma_wait3A_104 : memref<10112x64xf32, #tpu.memory_space<vmem_shared>>)
      %dma_wait3A_105 = arith.constant 256 : i32
      %dma_wait3A_106 = arith.constant 0 : i32
      %dma_wait3A_107 = tpu.memref_slice %arg9[%dma_wait3A_105, %dma_wait3A_106] : memref<512x64xf32, #tpu.memory_space<vmem>> -> memref<128x64xf32, #tpu.memory_space<vmem>>
      %dma_wait3A_108 = arith.constant 0 : i32
      %dma_wait3A_109 = tpu.memref_slice %arg8[%add3A_54, %dma_wait3A_108] : memref<80x128xi32, #tpu.memory_space<vmem>> -> memref<1x128xi32, #tpu.memory_space<vmem>>
      %dma_wait3A_110 = tpu.memref_squeeze %dma_wait3A_109 : memref<1x128xi32, #tpu.memory_space<vmem>> -> memref<128xi32, #tpu.memory_space<vmem>>
      %dma_wait3A_111 = arith.constant 0 : i32
      %dma_wait3A_112 = arith.constant 0 : i32
      %dma_wait3A_113 = tpu.memref_slice %arg11[%dma_wait3A_111, %dma_wait3A_112] : memref<10112x64xf32, #tpu.memory_space<vmem_shared>> -> memref<10112x64xf32, #tpu.memory_space<vmem_shared>>
      tpu.wait_indirect_dma semaphore(%arg14 : memref<!tpu.dma_semaphore, #tpu.memory_space<semaphore_mem>>) src(%dma_wait3A_107 : memref<128x64xf32, #tpu.memory_space<vmem>>) dst(%dma_wait3A_113 : memref<10112x64xf32, #tpu.memory_space<vmem_shared>>)
      %dma_wait3A_114 = arith.constant 384 : i32
      %dma_wait3A_115 = arith.constant 0 : i32
      %dma_wait3A_116 = tpu.memref_slice %arg9[%dma_wait3A_114, %dma_wait3A_115] : memref<512x64xf32, #tpu.memory_space<vmem>> -> memref<128x64xf32, #tpu.memory_space<vmem>>
      %dma_wait3A_117 = arith.constant 0 : i32
      %dma_wait3A_118 = tpu.memref_slice %arg8[%add3A_67, %dma_wait3A_117] : memref<80x128xi32, #tpu.memory_space<vmem>> -> memref<1x128xi32, #tpu.memory_space<vmem>>
      %dma_wait3A_119 = tpu.memref_squeeze %dma_wait3A_118 : memref<1x128xi32, #tpu.memory_space<vmem>> -> memref<128xi32, #tpu.memory_space<vmem>>
      %dma_wait3A_120 = arith.constant 0 : i32
      %dma_wait3A_121 = arith.constant 0 : i32
      %dma_wait3A_122 = tpu.memref_slice %arg11[%dma_wait3A_120, %dma_wait3A_121] : memref<10112x64xf32, #tpu.memory_space<vmem_shared>> -> memref<10112x64xf32, #tpu.memory_space<vmem_shared>>
      tpu.wait_indirect_dma semaphore(%arg14 : memref<!tpu.dma_semaphore, #tpu.memory_space<semaphore_mem>>) src(%dma_wait3A_116 : memref<128x64xf32, #tpu.memory_space<vmem>>) dst(%dma_wait3A_122 : memref<10112x64xf32, #tpu.memory_space<vmem_shared>>)
      %mul3A_123 = arith.constant 4 : i32
      %mul3A_124 = arith.muli %mul3A_123, %add3A_21 : i32
      %add3A_125 = arith.constant 0 : i32
      %add3A_126 = arith.addi %mul3A_124, %add3A_125 : i32
      %dma_start3A_127 = arith.constant 0 : i32
      %dma_start3A_128 = arith.constant 0 : i32
      %dma_start3A_129 = tpu.memref_slice %arg10[%dma_start3A_127, %dma_start3A_128] : memref<512x64xf32, #tpu.memory_space<vmem>> -> memref<128x64xf32, #tpu.memory_space<vmem>>
      %dma_start3A_130 = arith.constant 0 : i32
      %dma_start3A_131 = tpu.memref_slice %arg8[%add3A_126, %dma_start3A_130] : memref<80x128xi32, #tpu.memory_space<vmem>> -> memref<1x128xi32, #tpu.memory_space<vmem>>
      %dma_start3A_132 = tpu.memref_squeeze %dma_start3A_131 : memref<1x128xi32, #tpu.memory_space<vmem>> -> memref<128xi32, #tpu.memory_space<vmem>>
      %dma_start3A_133 = arith.constant 0 : i32
      %dma_start3A_134 = arith.constant 0 : i32
      %dma_start3A_135 = tpu.memref_slice %arg11[%dma_start3A_133, %dma_start3A_134] : memref<10112x64xf32, #tpu.memory_space<vmem_shared>> -> memref<10112x64xf32, #tpu.memory_space<vmem_shared>>
      tpu.enqueue_indirect_dma source(%dma_start3A_129 : memref<128x64xf32, #tpu.memory_space<vmem>>) target(%dma_start3A_135 : memref<10112x64xf32, #tpu.memory_space<vmem_shared>>) offsets(%dma_start3A_132 : memref<128xi32, #tpu.memory_space<vmem>>) semaphore(%arg15 : memref<!tpu.dma_semaphore, #tpu.memory_space<semaphore_mem>>) {add = true}
      %mul3A_136 = arith.constant 4 : i32
      %mul3A_137 = arith.muli %mul3A_136, %add3A_21 : i32
      %add3A_138 = arith.constant 1 : i32
      %add3A_139 = arith.addi %mul3A_137, %add3A_138 : i32
      %dma_start3A_140 = arith.constant 128 : i32
      %dma_start3A_141 = arith.constant 0 : i32
      %dma_start3A_142 = tpu.memref_slice %arg10[%dma_start3A_140, %dma_start3A_141] : memref<512x64xf32, #tpu.memory_space<vmem>> -> memref<128x64xf32, #tpu.memory_space<vmem>>
      %dma_start3A_143 = arith.constant 0 : i32
      %dma_start3A_144 = tpu.memref_slice %arg8[%add3A_139, %dma_start3A_143] : memref<80x128xi32, #tpu.memory_space<vmem>> -> memref<1x128xi32, #tpu.memory_space<vmem>>
      %dma_start3A_145 = tpu.memref_squeeze %dma_start3A_144 : memref<1x128xi32, #tpu.memory_space<vmem>> -> memref<128xi32, #tpu.memory_space<vmem>>
      %dma_start3A_146 = arith.constant 0 : i32
      %dma_start3A_147 = arith.constant 0 : i32
      %dma_start3A_148 = tpu.memref_slice %arg11[%dma_start3A_146, %dma_start3A_147] : memref<10112x64xf32, #tpu.memory_space<vmem_shared>> -> memref<10112x64xf32, #tpu.memory_space<vmem_shared>>
      tpu.enqueue_indirect_dma source(%dma_start3A_142 : memref<128x64xf32, #tpu.memory_space<vmem>>) target(%dma_start3A_148 : memref<10112x64xf32, #tpu.memory_space<vmem_shared>>) offsets(%dma_start3A_145 : memref<128xi32, #tpu.memory_space<vmem>>) semaphore(%arg15 : memref<!tpu.dma_semaphore, #tpu.memory_space<semaphore_mem>>) {add = true}
      %mul3A_149 = arith.constant 4 : i32
      %mul3A_150 = arith.muli %mul3A_149, %add3A_21 : i32
      %add3A_151 = arith.constant 2 : i32
      %add3A_152 = arith.addi %mul3A_150, %add3A_151 : i32
      %dma_start3A_153 = arith.constant 256 : i32
      %dma_start3A_154 = arith.constant 0 : i32
      %dma_start3A_155 = tpu.memref_slice %arg10[%dma_start3A_153, %dma_start3A_154] : memref<512x64xf32, #tpu.memory_space<vmem>> -> memref<128x64xf32, #tpu.memory_space<vmem>>
      %dma_start3A_156 = arith.constant 0 : i32
      %dma_start3A_157 = tpu.memref_slice %arg8[%add3A_152, %dma_start3A_156] : memref<80x128xi32, #tpu.memory_space<vmem>> -> memref<1x128xi32, #tpu.memory_space<vmem>>
      %dma_start3A_158 = tpu.memref_squeeze %dma_start3A_157 : memref<1x128xi32, #tpu.memory_space<vmem>> -> memref<128xi32, #tpu.memory_space<vmem>>
      %dma_start3A_159 = arith.constant 0 : i32
      %dma_start3A_160 = arith.constant 0 : i32
      %dma_start3A_161 = tpu.memref_slice %arg11[%dma_start3A_159, %dma_start3A_160] : memref<10112x64xf32, #tpu.memory_space<vmem_shared>> -> memref<10112x64xf32, #tpu.memory_space<vmem_shared>>
      tpu.enqueue_indirect_dma source(%dma_start3A_155 : memref<128x64xf32, #tpu.memory_space<vmem>>) target(%dma_start3A_161 : memref<10112x64xf32, #tpu.memory_space<vmem_shared>>) offsets(%dma_start3A_158 : memref<128xi32, #tpu.memory_space<vmem>>) semaphore(%arg15 : memref<!tpu.dma_semaphore, #tpu.memory_space<semaphore_mem>>) {add = true}
      %mul3A_162 = arith.constant 4 : i32
      %mul3A_163 = arith.muli %mul3A_162, %add3A_21 : i32
      %add3A_164 = arith.constant 3 : i32
      %add3A_165 = arith.addi %mul3A_163, %add3A_164 : i32
      %dma_start3A_166 = arith.constant 384 : i32
      %dma_start3A_167 = arith.constant 0 : i32
      %dma_start3A_168 = tpu.memref_slice %arg10[%dma_start3A_166, %dma_start3A_167] : memref<512x64xf32, #tpu.memory_space<vmem>> -> memref<128x64xf32, #tpu.memory_space<vmem>>
      %dma_start3A_169 = arith.constant 0 : i32
      %dma_start3A_170 = tpu.memref_slice %arg8[%add3A_165, %dma_start3A_169] : memref<80x128xi32, #tpu.memory_space<vmem>> -> memref<1x128xi32, #tpu.memory_space<vmem>>
      %dma_start3A_171 = tpu.memref_squeeze %dma_start3A_170 : memref<1x128xi32, #tpu.memory_space<vmem>> -> memref<128xi32, #tpu.memory_space<vmem>>
      %dma_start3A_172 = arith.constant 0 : i32
      %dma_start3A_173 = arith.constant 0 : i32
      %dma_start3A_174 = tpu.memref_slice %arg11[%dma_start3A_172, %dma_start3A_173] : memref<10112x64xf32, #tpu.memory_space<vmem_shared>> -> memref<10112x64xf32, #tpu.memory_space<vmem_shared>>
      tpu.enqueue_indirect_dma source(%dma_start3A_168 : memref<128x64xf32, #tpu.memory_space<vmem>>) target(%dma_start3A_174 : memref<10112x64xf32, #tpu.memory_space<vmem_shared>>) offsets(%dma_start3A_171 : memref<128xi32, #tpu.memory_space<vmem>>) semaphore(%arg15 : memref<!tpu.dma_semaphore, #tpu.memory_space<semaphore_mem>>) {add = true}
      %mul3A_175 = arith.constant 512 : i32
      %mul3A_176 = arith.muli %rem3A_24, %mul3A_175 : i32
      %dma_start3A_177 = tpu.memref_slice %arg7[%mul3A_176] : memref<10240xi32, #tpu.memory_space<vmem>> -> memref<512xi32, #tpu.memory_space<vmem>>
      %dma_start3A_178 = arith.constant 0 : i32
      %dma_start3A_179 = arith.constant 0 : i32
      %dma_start3A_180 = tpu.memref_slice %arg4[%dma_start3A_178, %dma_start3A_179] : memref<10112x64xf32, #tpu.memory_space<hbm>> -> memref<10112x64xf32, #tpu.memory_space<hbm>>
      tpu.enqueue_indirect_dma source(%dma_start3A_180 : memref<10112x64xf32, #tpu.memory_space<hbm>>) target(%arg9 : memref<512x64xf32, #tpu.memory_space<vmem>>) offsets(%dma_start3A_177 : memref<512xi32, #tpu.memory_space<vmem>>) semaphore(%arg12 : memref<!tpu.dma_semaphore, #tpu.memory_space<semaphore_mem>>)
      %dma_wait3A_181 = tpu.memref_slice %arg7[%mul3A_176] : memref<10240xi32, #tpu.memory_space<vmem>> -> memref<512xi32, #tpu.memory_space<vmem>>
      %dma_wait3A_182 = arith.constant 0 : i32
      %dma_wait3A_183 = arith.constant 0 : i32
      %dma_wait3A_184 = tpu.memref_slice %arg4[%dma_wait3A_182, %dma_wait3A_183] : memref<10112x64xf32, #tpu.memory_space<hbm>> -> memref<10112x64xf32, #tpu.memory_space<hbm>>
      tpu.wait_indirect_dma semaphore(%arg12 : memref<!tpu.dma_semaphore, #tpu.memory_space<semaphore_mem>>) src(%dma_wait3A_184 : memref<10112x64xf32, #tpu.memory_space<hbm>>) dst(%arg9 : memref<512x64xf32, #tpu.memory_space<vmem>>)
      %dma_wait3A_185 = arith.constant 0 : i32
      %dma_wait3A_186 = arith.constant 0 : i32
      %dma_wait3A_187 = tpu.memref_slice %arg10[%dma_wait3A_185, %dma_wait3A_186] : memref<512x64xf32, #tpu.memory_space<vmem>> -> memref<128x64xf32, #tpu.memory_space<vmem>>
      %dma_wait3A_188 = arith.constant 0 : i32
      %dma_wait3A_189 = tpu.memref_slice %arg8[%add3A_126, %dma_wait3A_188] : memref<80x128xi32, #tpu.memory_space<vmem>> -> memref<1x128xi32, #tpu.memory_space<vmem>>
      %dma_wait3A_190 = tpu.memref_squeeze %dma_wait3A_189 : memref<1x128xi32, #tpu.memory_space<vmem>> -> memref<128xi32, #tpu.memory_space<vmem>>
      %dma_wait3A_191 = arith.constant 0 : i32
      %dma_wait3A_192 = arith.constant 0 : i32
      %dma_wait3A_193 = tpu.memref_slice %arg11[%dma_wait3A_191, %dma_wait3A_192] : memref<10112x64xf32, #tpu.memory_space<vmem_shared>> -> memref<10112x64xf32, #tpu.memory_space<vmem_shared>>
      tpu.wait_indirect_dma semaphore(%arg15 : memref<!tpu.dma_semaphore, #tpu.memory_space<semaphore_mem>>) src(%dma_wait3A_187 : memref<128x64xf32, #tpu.memory_space<vmem>>) dst(%dma_wait3A_193 : memref<10112x64xf32, #tpu.memory_space<vmem_shared>>)
      %dma_wait3A_194 = arith.constant 128 : i32
      %dma_wait3A_195 = arith.constant 0 : i32
      %dma_wait3A_196 = tpu.memref_slice %arg10[%dma_wait3A_194, %dma_wait3A_195] : memref<512x64xf32, #tpu.memory_space<vmem>> -> memref<128x64xf32, #tpu.memory_space<vmem>>
      %dma_wait3A_197 = arith.constant 0 : i32
      %dma_wait3A_198 = tpu.memref_slice %arg8[%add3A_139, %dma_wait3A_197] : memref<80x128xi32, #tpu.memory_space<vmem>> -> memref<1x128xi32, #tpu.memory_space<vmem>>
      %dma_wait3A_199 = tpu.memref_squeeze %dma_wait3A_198 : memref<1x128xi32, #tpu.memory_space<vmem>> -> memref<128xi32, #tpu.memory_space<vmem>>
      %dma_wait3A_200 = arith.constant 0 : i32
      %dma_wait3A_201 = arith.constant 0 : i32
      %dma_wait3A_202 = tpu.memref_slice %arg11[%dma_wait3A_200, %dma_wait3A_201] : memref<10112x64xf32, #tpu.memory_space<vmem_shared>> -> memref<10112x64xf32, #tpu.memory_space<vmem_shared>>
      tpu.wait_indirect_dma semaphore(%arg15 : memref<!tpu.dma_semaphore, #tpu.memory_space<semaphore_mem>>) src(%dma_wait3A_196 : memref<128x64xf32, #tpu.memory_space<vmem>>) dst(%dma_wait3A_202 : memref<10112x64xf32, #tpu.memory_space<vmem_shared>>)
      %dma_wait3A_203 = arith.constant 256 : i32
      %dma_wait3A_204 = arith.constant 0 : i32
      %dma_wait3A_205 = tpu.memref_slice %arg10[%dma_wait3A_203, %dma_wait3A_204] : memref<512x64xf32, #tpu.memory_space<vmem>> -> memref<128x64xf32, #tpu.memory_space<vmem>>
      %dma_wait3A_206 = arith.constant 0 : i32
      %dma_wait3A_207 = tpu.memref_slice %arg8[%add3A_152, %dma_wait3A_206] : memref<80x128xi32, #tpu.memory_space<vmem>> -> memref<1x128xi32, #tpu.memory_space<vmem>>
      %dma_wait3A_208 = tpu.memref_squeeze %dma_wait3A_207 : memref<1x128xi32, #tpu.memory_space<vmem>> -> memref<128xi32, #tpu.memory_space<vmem>>
      %dma_wait3A_209 = arith.constant 0 : i32
      %dma_wait3A_210 = arith.constant 0 : i32
      %dma_wait3A_211 = tpu.memref_slice %arg11[%dma_wait3A_209, %dma_wait3A_210] : memref<10112x64xf32, #tpu.memory_space<vmem_shared>> -> memref<10112x64xf32, #tpu.memory_space<vmem_shared>>
      tpu.wait_indirect_dma semaphore(%arg15 : memref<!tpu.dma_semaphore, #tpu.memory_space<semaphore_mem>>) src(%dma_wait3A_205 : memref<128x64xf32, #tpu.memory_space<vmem>>) dst(%dma_wait3A_211 : memref<10112x64xf32, #tpu.memory_space<vmem_shared>>)
      %dma_wait3A_212 = arith.constant 384 : i32
      %dma_wait3A_213 = arith.constant 0 : i32
      %dma_wait3A_214 = tpu.memref_slice %arg10[%dma_wait3A_212, %dma_wait3A_213] : memref<512x64xf32, #tpu.memory_space<vmem>> -> memref<128x64xf32, #tpu.memory_space<vmem>>
      %dma_wait3A_215 = arith.constant 0 : i32
      %dma_wait3A_216 = tpu.memref_slice %arg8[%add3A_165, %dma_wait3A_215] : memref<80x128xi32, #tpu.memory_space<vmem>> -> memref<1x128xi32, #tpu.memory_space<vmem>>
      %dma_wait3A_217 = tpu.memref_squeeze %dma_wait3A_216 : memref<1x128xi32, #tpu.memory_space<vmem>> -> memref<128xi32, #tpu.memory_space<vmem>>
      %dma_wait3A_218 = arith.constant 0 : i32
      %dma_wait3A_219 = arith.constant 0 : i32
      %dma_wait3A_220 = tpu.memref_slice %arg11[%dma_wait3A_218, %dma_wait3A_219] : memref<10112x64xf32, #tpu.memory_space<vmem_shared>> -> memref<10112x64xf32, #tpu.memory_space<vmem_shared>>
      tpu.wait_indirect_dma semaphore(%arg15 : memref<!tpu.dma_semaphore, #tpu.memory_space<semaphore_mem>>) src(%dma_wait3A_214 : memref<128x64xf32, #tpu.memory_space<vmem>>) dst(%dma_wait3A_220 : memref<10112x64xf32, #tpu.memory_space<vmem_shared>>)
    }
    %scan3A_15 = arith.constant 10 : i32
    %barrier3A_16 = arith.constant 0 : index
    tpu.barrier barrier_id(%barrier3A_16)
    "tpu.region"() ({
      %run_scoped3A = tpu.sem_alloc : memref<!tpu.dma_semaphore, #tpu.memory_space<semaphore_mem>>
      %dma_start3A_17 = arith.constant 0 : i32
      %dma_start3A_18 = tpu.memref_slice %arg6[%arg0, %mul3A_2, %dma_start3A_17] : memref<2x10112x64xf32, #tpu.memory_space<hbm>> -> memref<1x632x64xf32, #tpu.memory_space<hbm>>
      %dma_start3A_19 = tpu.memref_squeeze %dma_start3A_18 : memref<1x632x64xf32, #tpu.memory_space<hbm>> -> memref<632x64xf32, #tpu.memory_space<hbm>>
      %dma_start3A_20 = arith.constant 0 : i32
      %dma_start3A_21 = tpu.memref_slice %arg11[%mul3A_2, %dma_start3A_20] : memref<10112x64xf32, #tpu.memory_space<vmem_shared>> -> memref<632x64xf32, #tpu.memory_space<vmem_shared>>
      tpu.enqueue_dma source(%dma_start3A_21 : memref<632x64xf32, #tpu.memory_space<vmem_shared>>) target(%dma_start3A_19 : memref<632x64xf32, #tpu.memory_space<hbm>>) target_semaphore(%run_scoped3A : memref<!tpu.dma_semaphore, #tpu.memory_space<semaphore_mem>>)
      %dma_wait3A_22 = arith.constant 0 : i32
      %dma_wait3A_23 = tpu.memref_slice %arg6[%arg0, %mul3A_2, %dma_wait3A_22] : memref<2x10112x64xf32, #tpu.memory_space<hbm>> -> memref<1x632x64xf32, #tpu.memory_space<hbm>>
      %dma_wait3A_24 = tpu.memref_squeeze %dma_wait3A_23 : memref<1x632x64xf32, #tpu.memory_space<hbm>> -> memref<632x64xf32, #tpu.memory_space<hbm>>
      %dma_wait3A_25 = arith.constant 0 : i32
      %dma_wait3A_26 = tpu.memref_slice %arg11[%mul3A_2, %dma_wait3A_25] : memref<10112x64xf32, #tpu.memory_space<vmem_shared>> -> memref<632x64xf32, #tpu.memory_space<vmem_shared>>
      tpu.wait_dma2 semaphore(%run_scoped3A : memref<!tpu.dma_semaphore, #tpu.memory_space<semaphore_mem>>) src(%dma_wait3A_26 : memref<632x64xf32, #tpu.memory_space<vmem_shared>>) dst(%dma_wait3A_24 : memref<632x64xf32, #tpu.memory_space<hbm>>)
      tpu.yield
    }) : () -> ()
    return
  }
}

#map = affine_map<(d0, d1) -> (0, 0, 0)>
#map1 = affine_map<(d0, d1) -> (0, 0)>
module attributes {stable_mosaic.version = 14 : i64} {
  func.func @agg_kernel(%arg0: i32, %arg1: i32, %arg2: memref<32x80x128xi32, #tpu.memory_space<hbm>>, %arg3: memref<32x80x128xi32, #tpu.memory_space<hbm>>, %arg4: memref<10112x128xf32, #tpu.memory_space<hbm>>, %arg5: memref<10112x128xf32, #tpu.memory_space<hbm>>, %arg6: memref<2x10112x128xf32, #tpu.memory_space<hbm>>, %arg7: memref<40x128xi32, #tpu.memory_space<vmem>>, %arg8: memref<40x128xi32, #tpu.memory_space<vmem>>, %arg9: memref<128x128xf32, #tpu.memory_space<vmem>>, %arg10: memref<128x128xf32, #tpu.memory_space<vmem>>, %arg11: memref<10112x128xf32, #tpu.memory_space<vmem_shared>>, %arg12: memref<!tpu.dma_semaphore, #tpu.memory_space<semaphore_mem>>, %arg13: memref<!tpu.dma_semaphore, #tpu.memory_space<semaphore_mem>>, %arg14: memref<!tpu.dma_semaphore, #tpu.memory_space<semaphore_mem>>, %arg15: memref<!tpu.dma_semaphore, #tpu.memory_space<semaphore_mem>>) attributes {dimension_semantics = [#tpu.dimension_semantics<core_parallel>, #tpu.dimension_semantics<subcore_parallel>], iteration_bounds = array<i64: 2, 16>, scalar_prefetch = 0 : i64, scratch_operands = 9 : i64, tpu.core_type = #tpu.core_type<sc_vector_subcore>, window_params = [{transform_indices = #map}, {transform_indices = #map}, {transform_indices = #map1}, {transform_indices = #map1}, {transform_indices = #map}]} {
    %mul3A = arith.constant 16 : i32
    %mul3A_0 = arith.muli %arg0, %mul3A : i32
    %add3A = arith.addi %mul3A_0, %arg1 : i32
    %mul3A_1 = arith.constant 632 : i32
    %mul3A_2 = arith.muli %arg1, %mul3A_1 : i32
    "tpu.region"() ({
      %run_scoped3A = tpu.sem_alloc : memref<!tpu.dma_semaphore, #tpu.memory_space<semaphore_mem>>
      %dma_start3A_41 = arith.constant 0 : i32
      %dma_start3A_42 = tpu.memref_slice %arg11[%mul3A_2, %dma_start3A_41] : memref<10112x128xf32, #tpu.memory_space<vmem_shared>> -> memref<632x128xf32, #tpu.memory_space<vmem_shared>>
      %dma_start3A_43 = arith.constant 0 : i32
      %dma_start3A_44 = tpu.memref_slice %arg5[%mul3A_2, %dma_start3A_43] : memref<10112x128xf32, #tpu.memory_space<hbm>> -> memref<632x128xf32, #tpu.memory_space<hbm>>
      tpu.enqueue_dma source(%dma_start3A_44 : memref<632x128xf32, #tpu.memory_space<hbm>>) target(%dma_start3A_42 : memref<632x128xf32, #tpu.memory_space<vmem_shared>>) target_semaphore(%run_scoped3A : memref<!tpu.dma_semaphore, #tpu.memory_space<semaphore_mem>>)
      %dma_wait3A_45 = arith.constant 0 : i32
      %dma_wait3A_46 = tpu.memref_slice %arg11[%mul3A_2, %dma_wait3A_45] : memref<10112x128xf32, #tpu.memory_space<vmem_shared>> -> memref<632x128xf32, #tpu.memory_space<vmem_shared>>
      %dma_wait3A_47 = arith.constant 0 : i32
      %dma_wait3A_48 = tpu.memref_slice %arg5[%mul3A_2, %dma_wait3A_47] : memref<10112x128xf32, #tpu.memory_space<hbm>> -> memref<632x128xf32, #tpu.memory_space<hbm>>
      tpu.wait_dma2 semaphore(%run_scoped3A : memref<!tpu.dma_semaphore, #tpu.memory_space<semaphore_mem>>) src(%dma_wait3A_48 : memref<632x128xf32, #tpu.memory_space<hbm>>) dst(%dma_wait3A_46 : memref<632x128xf32, #tpu.memory_space<vmem_shared>>)
      tpu.yield
    }) : () -> ()
    %barrier3A = arith.constant 0 : index
    tpu.barrier barrier_id(%barrier3A)
    "tpu.region"() ({
      %run_scoped3A = tpu.sem_alloc : memref<!tpu.dma_semaphore, #tpu.memory_space<semaphore_mem>>
      %dma_start3A_41 = arith.constant 0 : i32
      %dma_start3A_42 = arith.constant 0 : i32
      %dma_start3A_43 = tpu.memref_slice %arg2[%add3A, %dma_start3A_41, %dma_start3A_42] : memref<32x80x128xi32, #tpu.memory_space<hbm>> -> memref<1x40x128xi32, #tpu.memory_space<hbm>>
      %dma_start3A_44 = tpu.memref_squeeze %dma_start3A_43 : memref<1x40x128xi32, #tpu.memory_space<hbm>> -> memref<40x128xi32, #tpu.memory_space<hbm>>
      %dma_start3A_45 = arith.constant 0 : i32
      %dma_start3A_46 = arith.constant 0 : i32
      %dma_start3A_47 = tpu.memref_slice %arg2[%add3A, %dma_start3A_45, %dma_start3A_46] : memref<32x80x128xi32, #tpu.memory_space<hbm>> -> memref<1x40x128xi32, #tpu.memory_space<hbm>>
      %dma_start3A_48 = tpu.memref_squeeze %dma_start3A_47 : memref<1x40x128xi32, #tpu.memory_space<hbm>> -> memref<40x128xi32, #tpu.memory_space<hbm>>
      tpu.enqueue_dma source(%dma_start3A_48 : memref<40x128xi32, #tpu.memory_space<hbm>>) target(%arg7 : memref<40x128xi32, #tpu.memory_space<vmem>>) target_semaphore(%run_scoped3A : memref<!tpu.dma_semaphore, #tpu.memory_space<semaphore_mem>>)
      %dma_wait3A_49 = arith.constant 0 : i32
      %dma_wait3A_50 = arith.constant 0 : i32
      %dma_wait3A_51 = tpu.memref_slice %arg2[%add3A, %dma_wait3A_49, %dma_wait3A_50] : memref<32x80x128xi32, #tpu.memory_space<hbm>> -> memref<1x40x128xi32, #tpu.memory_space<hbm>>
      %dma_wait3A_52 = tpu.memref_squeeze %dma_wait3A_51 : memref<1x40x128xi32, #tpu.memory_space<hbm>> -> memref<40x128xi32, #tpu.memory_space<hbm>>
      %dma_wait3A_53 = arith.constant 0 : i32
      %dma_wait3A_54 = arith.constant 0 : i32
      %dma_wait3A_55 = tpu.memref_slice %arg2[%add3A, %dma_wait3A_53, %dma_wait3A_54] : memref<32x80x128xi32, #tpu.memory_space<hbm>> -> memref<1x40x128xi32, #tpu.memory_space<hbm>>
      %dma_wait3A_56 = tpu.memref_squeeze %dma_wait3A_55 : memref<1x40x128xi32, #tpu.memory_space<hbm>> -> memref<40x128xi32, #tpu.memory_space<hbm>>
      tpu.wait_dma2 semaphore(%run_scoped3A : memref<!tpu.dma_semaphore, #tpu.memory_space<semaphore_mem>>) src(%dma_wait3A_56 : memref<40x128xi32, #tpu.memory_space<hbm>>) dst(%arg7 : memref<40x128xi32, #tpu.memory_space<vmem>>)
      tpu.yield
    }) : () -> ()
    "tpu.region"() ({
      %run_scoped3A = tpu.sem_alloc : memref<!tpu.dma_semaphore, #tpu.memory_space<semaphore_mem>>
      %dma_start3A_41 = arith.constant 0 : i32
      %dma_start3A_42 = arith.constant 0 : i32
      %dma_start3A_43 = tpu.memref_slice %arg3[%add3A, %dma_start3A_41, %dma_start3A_42] : memref<32x80x128xi32, #tpu.memory_space<hbm>> -> memref<1x40x128xi32, #tpu.memory_space<hbm>>
      %dma_start3A_44 = tpu.memref_squeeze %dma_start3A_43 : memref<1x40x128xi32, #tpu.memory_space<hbm>> -> memref<40x128xi32, #tpu.memory_space<hbm>>
      %dma_start3A_45 = arith.constant 0 : i32
      %dma_start3A_46 = arith.constant 0 : i32
      %dma_start3A_47 = tpu.memref_slice %arg3[%add3A, %dma_start3A_45, %dma_start3A_46] : memref<32x80x128xi32, #tpu.memory_space<hbm>> -> memref<1x40x128xi32, #tpu.memory_space<hbm>>
      %dma_start3A_48 = tpu.memref_squeeze %dma_start3A_47 : memref<1x40x128xi32, #tpu.memory_space<hbm>> -> memref<40x128xi32, #tpu.memory_space<hbm>>
      tpu.enqueue_dma source(%dma_start3A_48 : memref<40x128xi32, #tpu.memory_space<hbm>>) target(%arg8 : memref<40x128xi32, #tpu.memory_space<vmem>>) target_semaphore(%run_scoped3A : memref<!tpu.dma_semaphore, #tpu.memory_space<semaphore_mem>>)
      %dma_wait3A_49 = arith.constant 0 : i32
      %dma_wait3A_50 = arith.constant 0 : i32
      %dma_wait3A_51 = tpu.memref_slice %arg3[%add3A, %dma_wait3A_49, %dma_wait3A_50] : memref<32x80x128xi32, #tpu.memory_space<hbm>> -> memref<1x40x128xi32, #tpu.memory_space<hbm>>
      %dma_wait3A_52 = tpu.memref_squeeze %dma_wait3A_51 : memref<1x40x128xi32, #tpu.memory_space<hbm>> -> memref<40x128xi32, #tpu.memory_space<hbm>>
      %dma_wait3A_53 = arith.constant 0 : i32
      %dma_wait3A_54 = arith.constant 0 : i32
      %dma_wait3A_55 = tpu.memref_slice %arg3[%add3A, %dma_wait3A_53, %dma_wait3A_54] : memref<32x80x128xi32, #tpu.memory_space<hbm>> -> memref<1x40x128xi32, #tpu.memory_space<hbm>>
      %dma_wait3A_56 = tpu.memref_squeeze %dma_wait3A_55 : memref<1x40x128xi32, #tpu.memory_space<hbm>> -> memref<40x128xi32, #tpu.memory_space<hbm>>
      tpu.wait_dma2 semaphore(%run_scoped3A : memref<!tpu.dma_semaphore, #tpu.memory_space<semaphore_mem>>) src(%dma_wait3A_56 : memref<40x128xi32, #tpu.memory_space<hbm>>) dst(%arg8 : memref<40x128xi32, #tpu.memory_space<vmem>>)
      tpu.yield
    }) : () -> ()
    %dma_start3A = arith.constant 0 : i32
    %dma_start3A_3 = arith.constant 0 : i32
    %dma_start3A_4 = tpu.memref_slice %arg7[%dma_start3A, %dma_start3A_3] : memref<40x128xi32, #tpu.memory_space<vmem>> -> memref<1x128xi32, #tpu.memory_space<vmem>>
    %dma_start3A_5 = tpu.memref_squeeze %dma_start3A_4 : memref<1x128xi32, #tpu.memory_space<vmem>> -> memref<128xi32, #tpu.memory_space<vmem>>
    %dma_start3A_6 = arith.constant 0 : i32
    %dma_start3A_7 = arith.constant 0 : i32
    %dma_start3A_8 = tpu.memref_slice %arg4[%dma_start3A_6, %dma_start3A_7] : memref<10112x128xf32, #tpu.memory_space<hbm>> -> memref<10112x128xf32, #tpu.memory_space<hbm>>
    tpu.enqueue_indirect_dma source(%dma_start3A_8 : memref<10112x128xf32, #tpu.memory_space<hbm>>) target(%arg9 : memref<128x128xf32, #tpu.memory_space<vmem>>) offsets(%dma_start3A_5 : memref<128xi32, #tpu.memory_space<vmem>>) semaphore(%arg12 : memref<!tpu.dma_semaphore, #tpu.memory_space<semaphore_mem>>)
    %dma_wait3A = arith.constant 0 : i32
    %dma_wait3A_9 = arith.constant 0 : i32
    %dma_wait3A_10 = tpu.memref_slice %arg7[%dma_wait3A, %dma_wait3A_9] : memref<40x128xi32, #tpu.memory_space<vmem>> -> memref<1x128xi32, #tpu.memory_space<vmem>>
    %dma_wait3A_11 = tpu.memref_squeeze %dma_wait3A_10 : memref<1x128xi32, #tpu.memory_space<vmem>> -> memref<128xi32, #tpu.memory_space<vmem>>
    %dma_wait3A_12 = arith.constant 0 : i32
    %dma_wait3A_13 = arith.constant 0 : i32
    %dma_wait3A_14 = tpu.memref_slice %arg4[%dma_wait3A_12, %dma_wait3A_13] : memref<10112x128xf32, #tpu.memory_space<hbm>> -> memref<10112x128xf32, #tpu.memory_space<hbm>>
    tpu.wait_indirect_dma semaphore(%arg12 : memref<!tpu.dma_semaphore, #tpu.memory_space<semaphore_mem>>) src(%dma_wait3A_14 : memref<10112x128xf32, #tpu.memory_space<hbm>>) dst(%arg9 : memref<128x128xf32, #tpu.memory_space<vmem>>)
    %scan3A = arith.constant 0 : i32
    %scan3A_15 = arith.constant 0 : i32
    %scan3A_16 = arith.constant 20 : i32
    %scan3A_17 = arith.addi %scan3A_15, %scan3A_16 : i32
    %scan3A_18 = arith.constant 1 : i32
    scf.for %scan3A_41 = %scan3A_15 to %scan3A_17 step %scan3A_18  : i32 {
      %mul3A_42 = arith.constant 2 : i32
      %mul3A_43 = arith.muli %mul3A_42, %scan3A_41 : i32
      %add3A_44 = arith.constant 1 : i32
      %add3A_45 = arith.addi %mul3A_43, %add3A_44 : i32
      %add3A_46 = arith.constant 2 : i32
      %add3A_47 = arith.addi %mul3A_43, %add3A_46 : i32
      %rem3A = arith.constant 40 : i32
      %rem3A_48 = arith.remsi %add3A_47, %rem3A : i32
      %dma_start3A_49 = arith.constant 0 : i32
      %dma_start3A_50 = tpu.memref_slice %arg8[%mul3A_43, %dma_start3A_49] : memref<40x128xi32, #tpu.memory_space<vmem>> -> memref<1x128xi32, #tpu.memory_space<vmem>>
      %dma_start3A_51 = tpu.memref_squeeze %dma_start3A_50 : memref<1x128xi32, #tpu.memory_space<vmem>> -> memref<128xi32, #tpu.memory_space<vmem>>
      %dma_start3A_52 = arith.constant 0 : i32
      %dma_start3A_53 = arith.constant 0 : i32
      %dma_start3A_54 = tpu.memref_slice %arg11[%dma_start3A_52, %dma_start3A_53] : memref<10112x128xf32, #tpu.memory_space<vmem_shared>> -> memref<10112x128xf32, #tpu.memory_space<vmem_shared>>
      tpu.enqueue_indirect_dma source(%arg9 : memref<128x128xf32, #tpu.memory_space<vmem>>) target(%dma_start3A_54 : memref<10112x128xf32, #tpu.memory_space<vmem_shared>>) offsets(%dma_start3A_51 : memref<128xi32, #tpu.memory_space<vmem>>) semaphore(%arg14 : memref<!tpu.dma_semaphore, #tpu.memory_space<semaphore_mem>>) {add = true}
      %dma_start3A_55 = arith.constant 0 : i32
      %dma_start3A_56 = tpu.memref_slice %arg7[%add3A_45, %dma_start3A_55] : memref<40x128xi32, #tpu.memory_space<vmem>> -> memref<1x128xi32, #tpu.memory_space<vmem>>
      %dma_start3A_57 = tpu.memref_squeeze %dma_start3A_56 : memref<1x128xi32, #tpu.memory_space<vmem>> -> memref<128xi32, #tpu.memory_space<vmem>>
      %dma_start3A_58 = arith.constant 0 : i32
      %dma_start3A_59 = arith.constant 0 : i32
      %dma_start3A_60 = tpu.memref_slice %arg4[%dma_start3A_58, %dma_start3A_59] : memref<10112x128xf32, #tpu.memory_space<hbm>> -> memref<10112x128xf32, #tpu.memory_space<hbm>>
      tpu.enqueue_indirect_dma source(%dma_start3A_60 : memref<10112x128xf32, #tpu.memory_space<hbm>>) target(%arg10 : memref<128x128xf32, #tpu.memory_space<vmem>>) offsets(%dma_start3A_57 : memref<128xi32, #tpu.memory_space<vmem>>) semaphore(%arg13 : memref<!tpu.dma_semaphore, #tpu.memory_space<semaphore_mem>>)
      %dma_wait3A_61 = arith.constant 0 : i32
      %dma_wait3A_62 = tpu.memref_slice %arg7[%add3A_45, %dma_wait3A_61] : memref<40x128xi32, #tpu.memory_space<vmem>> -> memref<1x128xi32, #tpu.memory_space<vmem>>
      %dma_wait3A_63 = tpu.memref_squeeze %dma_wait3A_62 : memref<1x128xi32, #tpu.memory_space<vmem>> -> memref<128xi32, #tpu.memory_space<vmem>>
      %dma_wait3A_64 = arith.constant 0 : i32
      %dma_wait3A_65 = arith.constant 0 : i32
      %dma_wait3A_66 = tpu.memref_slice %arg4[%dma_wait3A_64, %dma_wait3A_65] : memref<10112x128xf32, #tpu.memory_space<hbm>> -> memref<10112x128xf32, #tpu.memory_space<hbm>>
      tpu.wait_indirect_dma semaphore(%arg13 : memref<!tpu.dma_semaphore, #tpu.memory_space<semaphore_mem>>) src(%dma_wait3A_66 : memref<10112x128xf32, #tpu.memory_space<hbm>>) dst(%arg10 : memref<128x128xf32, #tpu.memory_space<vmem>>)
      %dma_wait3A_67 = arith.constant 0 : i32
      %dma_wait3A_68 = tpu.memref_slice %arg8[%mul3A_43, %dma_wait3A_67] : memref<40x128xi32, #tpu.memory_space<vmem>> -> memref<1x128xi32, #tpu.memory_space<vmem>>
      %dma_wait3A_69 = tpu.memref_squeeze %dma_wait3A_68 : memref<1x128xi32, #tpu.memory_space<vmem>> -> memref<128xi32, #tpu.memory_space<vmem>>
      %dma_wait3A_70 = arith.constant 0 : i32
      %dma_wait3A_71 = arith.constant 0 : i32
      %dma_wait3A_72 = tpu.memref_slice %arg11[%dma_wait3A_70, %dma_wait3A_71] : memref<10112x128xf32, #tpu.memory_space<vmem_shared>> -> memref<10112x128xf32, #tpu.memory_space<vmem_shared>>
      tpu.wait_indirect_dma semaphore(%arg14 : memref<!tpu.dma_semaphore, #tpu.memory_space<semaphore_mem>>) src(%arg9 : memref<128x128xf32, #tpu.memory_space<vmem>>) dst(%dma_wait3A_72 : memref<10112x128xf32, #tpu.memory_space<vmem_shared>>)
      %dma_start3A_73 = arith.constant 0 : i32
      %dma_start3A_74 = tpu.memref_slice %arg8[%add3A_45, %dma_start3A_73] : memref<40x128xi32, #tpu.memory_space<vmem>> -> memref<1x128xi32, #tpu.memory_space<vmem>>
      %dma_start3A_75 = tpu.memref_squeeze %dma_start3A_74 : memref<1x128xi32, #tpu.memory_space<vmem>> -> memref<128xi32, #tpu.memory_space<vmem>>
      %dma_start3A_76 = arith.constant 0 : i32
      %dma_start3A_77 = arith.constant 0 : i32
      %dma_start3A_78 = tpu.memref_slice %arg11[%dma_start3A_76, %dma_start3A_77] : memref<10112x128xf32, #tpu.memory_space<vmem_shared>> -> memref<10112x128xf32, #tpu.memory_space<vmem_shared>>
      tpu.enqueue_indirect_dma source(%arg10 : memref<128x128xf32, #tpu.memory_space<vmem>>) target(%dma_start3A_78 : memref<10112x128xf32, #tpu.memory_space<vmem_shared>>) offsets(%dma_start3A_75 : memref<128xi32, #tpu.memory_space<vmem>>) semaphore(%arg15 : memref<!tpu.dma_semaphore, #tpu.memory_space<semaphore_mem>>) {add = true}
      %dma_start3A_79 = arith.constant 0 : i32
      %dma_start3A_80 = tpu.memref_slice %arg7[%rem3A_48, %dma_start3A_79] : memref<40x128xi32, #tpu.memory_space<vmem>> -> memref<1x128xi32, #tpu.memory_space<vmem>>
      %dma_start3A_81 = tpu.memref_squeeze %dma_start3A_80 : memref<1x128xi32, #tpu.memory_space<vmem>> -> memref<128xi32, #tpu.memory_space<vmem>>
      %dma_start3A_82 = arith.constant 0 : i32
      %dma_start3A_83 = arith.constant 0 : i32
      %dma_start3A_84 = tpu.memref_slice %arg4[%dma_start3A_82, %dma_start3A_83] : memref<10112x128xf32, #tpu.memory_space<hbm>> -> memref<10112x128xf32, #tpu.memory_space<hbm>>
      tpu.enqueue_indirect_dma source(%dma_start3A_84 : memref<10112x128xf32, #tpu.memory_space<hbm>>) target(%arg9 : memref<128x128xf32, #tpu.memory_space<vmem>>) offsets(%dma_start3A_81 : memref<128xi32, #tpu.memory_space<vmem>>) semaphore(%arg12 : memref<!tpu.dma_semaphore, #tpu.memory_space<semaphore_mem>>)
      %dma_wait3A_85 = arith.constant 0 : i32
      %dma_wait3A_86 = tpu.memref_slice %arg7[%rem3A_48, %dma_wait3A_85] : memref<40x128xi32, #tpu.memory_space<vmem>> -> memref<1x128xi32, #tpu.memory_space<vmem>>
      %dma_wait3A_87 = tpu.memref_squeeze %dma_wait3A_86 : memref<1x128xi32, #tpu.memory_space<vmem>> -> memref<128xi32, #tpu.memory_space<vmem>>
      %dma_wait3A_88 = arith.constant 0 : i32
      %dma_wait3A_89 = arith.constant 0 : i32
      %dma_wait3A_90 = tpu.memref_slice %arg4[%dma_wait3A_88, %dma_wait3A_89] : memref<10112x128xf32, #tpu.memory_space<hbm>> -> memref<10112x128xf32, #tpu.memory_space<hbm>>
      tpu.wait_indirect_dma semaphore(%arg12 : memref<!tpu.dma_semaphore, #tpu.memory_space<semaphore_mem>>) src(%dma_wait3A_90 : memref<10112x128xf32, #tpu.memory_space<hbm>>) dst(%arg9 : memref<128x128xf32, #tpu.memory_space<vmem>>)
      %dma_wait3A_91 = arith.constant 0 : i32
      %dma_wait3A_92 = tpu.memref_slice %arg8[%add3A_45, %dma_wait3A_91] : memref<40x128xi32, #tpu.memory_space<vmem>> -> memref<1x128xi32, #tpu.memory_space<vmem>>
      %dma_wait3A_93 = tpu.memref_squeeze %dma_wait3A_92 : memref<1x128xi32, #tpu.memory_space<vmem>> -> memref<128xi32, #tpu.memory_space<vmem>>
      %dma_wait3A_94 = arith.constant 0 : i32
      %dma_wait3A_95 = arith.constant 0 : i32
      %dma_wait3A_96 = tpu.memref_slice %arg11[%dma_wait3A_94, %dma_wait3A_95] : memref<10112x128xf32, #tpu.memory_space<vmem_shared>> -> memref<10112x128xf32, #tpu.memory_space<vmem_shared>>
      tpu.wait_indirect_dma semaphore(%arg15 : memref<!tpu.dma_semaphore, #tpu.memory_space<semaphore_mem>>) src(%arg10 : memref<128x128xf32, #tpu.memory_space<vmem>>) dst(%dma_wait3A_96 : memref<10112x128xf32, #tpu.memory_space<vmem_shared>>)
    }
    %scan3A_19 = arith.constant 20 : i32
    "tpu.region"() ({
      %run_scoped3A = tpu.sem_alloc : memref<!tpu.dma_semaphore, #tpu.memory_space<semaphore_mem>>
      %dma_start3A_41 = arith.constant 40 : i32
      %dma_start3A_42 = arith.constant 0 : i32
      %dma_start3A_43 = tpu.memref_slice %arg2[%add3A, %dma_start3A_41, %dma_start3A_42] : memref<32x80x128xi32, #tpu.memory_space<hbm>> -> memref<1x40x128xi32, #tpu.memory_space<hbm>>
      %dma_start3A_44 = tpu.memref_squeeze %dma_start3A_43 : memref<1x40x128xi32, #tpu.memory_space<hbm>> -> memref<40x128xi32, #tpu.memory_space<hbm>>
      %dma_start3A_45 = arith.constant 40 : i32
      %dma_start3A_46 = arith.constant 0 : i32
      %dma_start3A_47 = tpu.memref_slice %arg2[%add3A, %dma_start3A_45, %dma_start3A_46] : memref<32x80x128xi32, #tpu.memory_space<hbm>> -> memref<1x40x128xi32, #tpu.memory_space<hbm>>
      %dma_start3A_48 = tpu.memref_squeeze %dma_start3A_47 : memref<1x40x128xi32, #tpu.memory_space<hbm>> -> memref<40x128xi32, #tpu.memory_space<hbm>>
      tpu.enqueue_dma source(%dma_start3A_48 : memref<40x128xi32, #tpu.memory_space<hbm>>) target(%arg7 : memref<40x128xi32, #tpu.memory_space<vmem>>) target_semaphore(%run_scoped3A : memref<!tpu.dma_semaphore, #tpu.memory_space<semaphore_mem>>)
      %dma_wait3A_49 = arith.constant 40 : i32
      %dma_wait3A_50 = arith.constant 0 : i32
      %dma_wait3A_51 = tpu.memref_slice %arg2[%add3A, %dma_wait3A_49, %dma_wait3A_50] : memref<32x80x128xi32, #tpu.memory_space<hbm>> -> memref<1x40x128xi32, #tpu.memory_space<hbm>>
      %dma_wait3A_52 = tpu.memref_squeeze %dma_wait3A_51 : memref<1x40x128xi32, #tpu.memory_space<hbm>> -> memref<40x128xi32, #tpu.memory_space<hbm>>
      %dma_wait3A_53 = arith.constant 40 : i32
      %dma_wait3A_54 = arith.constant 0 : i32
      %dma_wait3A_55 = tpu.memref_slice %arg2[%add3A, %dma_wait3A_53, %dma_wait3A_54] : memref<32x80x128xi32, #tpu.memory_space<hbm>> -> memref<1x40x128xi32, #tpu.memory_space<hbm>>
      %dma_wait3A_56 = tpu.memref_squeeze %dma_wait3A_55 : memref<1x40x128xi32, #tpu.memory_space<hbm>> -> memref<40x128xi32, #tpu.memory_space<hbm>>
      tpu.wait_dma2 semaphore(%run_scoped3A : memref<!tpu.dma_semaphore, #tpu.memory_space<semaphore_mem>>) src(%dma_wait3A_56 : memref<40x128xi32, #tpu.memory_space<hbm>>) dst(%arg7 : memref<40x128xi32, #tpu.memory_space<vmem>>)
      tpu.yield
    }) : () -> ()
    "tpu.region"() ({
      %run_scoped3A = tpu.sem_alloc : memref<!tpu.dma_semaphore, #tpu.memory_space<semaphore_mem>>
      %dma_start3A_41 = arith.constant 40 : i32
      %dma_start3A_42 = arith.constant 0 : i32
      %dma_start3A_43 = tpu.memref_slice %arg3[%add3A, %dma_start3A_41, %dma_start3A_42] : memref<32x80x128xi32, #tpu.memory_space<hbm>> -> memref<1x40x128xi32, #tpu.memory_space<hbm>>
      %dma_start3A_44 = tpu.memref_squeeze %dma_start3A_43 : memref<1x40x128xi32, #tpu.memory_space<hbm>> -> memref<40x128xi32, #tpu.memory_space<hbm>>
      %dma_start3A_45 = arith.constant 40 : i32
      %dma_start3A_46 = arith.constant 0 : i32
      %dma_start3A_47 = tpu.memref_slice %arg3[%add3A, %dma_start3A_45, %dma_start3A_46] : memref<32x80x128xi32, #tpu.memory_space<hbm>> -> memref<1x40x128xi32, #tpu.memory_space<hbm>>
      %dma_start3A_48 = tpu.memref_squeeze %dma_start3A_47 : memref<1x40x128xi32, #tpu.memory_space<hbm>> -> memref<40x128xi32, #tpu.memory_space<hbm>>
      tpu.enqueue_dma source(%dma_start3A_48 : memref<40x128xi32, #tpu.memory_space<hbm>>) target(%arg8 : memref<40x128xi32, #tpu.memory_space<vmem>>) target_semaphore(%run_scoped3A : memref<!tpu.dma_semaphore, #tpu.memory_space<semaphore_mem>>)
      %dma_wait3A_49 = arith.constant 40 : i32
      %dma_wait3A_50 = arith.constant 0 : i32
      %dma_wait3A_51 = tpu.memref_slice %arg3[%add3A, %dma_wait3A_49, %dma_wait3A_50] : memref<32x80x128xi32, #tpu.memory_space<hbm>> -> memref<1x40x128xi32, #tpu.memory_space<hbm>>
      %dma_wait3A_52 = tpu.memref_squeeze %dma_wait3A_51 : memref<1x40x128xi32, #tpu.memory_space<hbm>> -> memref<40x128xi32, #tpu.memory_space<hbm>>
      %dma_wait3A_53 = arith.constant 40 : i32
      %dma_wait3A_54 = arith.constant 0 : i32
      %dma_wait3A_55 = tpu.memref_slice %arg3[%add3A, %dma_wait3A_53, %dma_wait3A_54] : memref<32x80x128xi32, #tpu.memory_space<hbm>> -> memref<1x40x128xi32, #tpu.memory_space<hbm>>
      %dma_wait3A_56 = tpu.memref_squeeze %dma_wait3A_55 : memref<1x40x128xi32, #tpu.memory_space<hbm>> -> memref<40x128xi32, #tpu.memory_space<hbm>>
      tpu.wait_dma2 semaphore(%run_scoped3A : memref<!tpu.dma_semaphore, #tpu.memory_space<semaphore_mem>>) src(%dma_wait3A_56 : memref<40x128xi32, #tpu.memory_space<hbm>>) dst(%arg8 : memref<40x128xi32, #tpu.memory_space<vmem>>)
      tpu.yield
    }) : () -> ()
    %dma_start3A_20 = arith.constant 0 : i32
    %dma_start3A_21 = arith.constant 0 : i32
    %dma_start3A_22 = tpu.memref_slice %arg7[%dma_start3A_20, %dma_start3A_21] : memref<40x128xi32, #tpu.memory_space<vmem>> -> memref<1x128xi32, #tpu.memory_space<vmem>>
    %dma_start3A_23 = tpu.memref_squeeze %dma_start3A_22 : memref<1x128xi32, #tpu.memory_space<vmem>> -> memref<128xi32, #tpu.memory_space<vmem>>
    %dma_start3A_24 = arith.constant 0 : i32
    %dma_start3A_25 = arith.constant 0 : i32
    %dma_start3A_26 = tpu.memref_slice %arg4[%dma_start3A_24, %dma_start3A_25] : memref<10112x128xf32, #tpu.memory_space<hbm>> -> memref<10112x128xf32, #tpu.memory_space<hbm>>
    tpu.enqueue_indirect_dma source(%dma_start3A_26 : memref<10112x128xf32, #tpu.memory_space<hbm>>) target(%arg9 : memref<128x128xf32, #tpu.memory_space<vmem>>) offsets(%dma_start3A_23 : memref<128xi32, #tpu.memory_space<vmem>>) semaphore(%arg12 : memref<!tpu.dma_semaphore, #tpu.memory_space<semaphore_mem>>)
    %dma_wait3A_27 = arith.constant 0 : i32
    %dma_wait3A_28 = arith.constant 0 : i32
    %dma_wait3A_29 = tpu.memref_slice %arg7[%dma_wait3A_27, %dma_wait3A_28] : memref<40x128xi32, #tpu.memory_space<vmem>> -> memref<1x128xi32, #tpu.memory_space<vmem>>
    %dma_wait3A_30 = tpu.memref_squeeze %dma_wait3A_29 : memref<1x128xi32, #tpu.memory_space<vmem>> -> memref<128xi32, #tpu.memory_space<vmem>>
    %dma_wait3A_31 = arith.constant 0 : i32
    %dma_wait3A_32 = arith.constant 0 : i32
    %dma_wait3A_33 = tpu.memref_slice %arg4[%dma_wait3A_31, %dma_wait3A_32] : memref<10112x128xf32, #tpu.memory_space<hbm>> -> memref<10112x128xf32, #tpu.memory_space<hbm>>
    tpu.wait_indirect_dma semaphore(%arg12 : memref<!tpu.dma_semaphore, #tpu.memory_space<semaphore_mem>>) src(%dma_wait3A_33 : memref<10112x128xf32, #tpu.memory_space<hbm>>) dst(%arg9 : memref<128x128xf32, #tpu.memory_space<vmem>>)
    %scan3A_34 = arith.constant 0 : i32
    %scan3A_35 = arith.constant 0 : i32
    %scan3A_36 = arith.constant 20 : i32
    %scan3A_37 = arith.addi %scan3A_35, %scan3A_36 : i32
    %scan3A_38 = arith.constant 1 : i32
    scf.for %scan3A_41 = %scan3A_35 to %scan3A_37 step %scan3A_38  : i32 {
      %mul3A_42 = arith.constant 2 : i32
      %mul3A_43 = arith.muli %mul3A_42, %scan3A_41 : i32
      %add3A_44 = arith.constant 1 : i32
      %add3A_45 = arith.addi %mul3A_43, %add3A_44 : i32
      %add3A_46 = arith.constant 2 : i32
      %add3A_47 = arith.addi %mul3A_43, %add3A_46 : i32
      %rem3A = arith.constant 40 : i32
      %rem3A_48 = arith.remsi %add3A_47, %rem3A : i32
      %dma_start3A_49 = arith.constant 0 : i32
      %dma_start3A_50 = tpu.memref_slice %arg8[%mul3A_43, %dma_start3A_49] : memref<40x128xi32, #tpu.memory_space<vmem>> -> memref<1x128xi32, #tpu.memory_space<vmem>>
      %dma_start3A_51 = tpu.memref_squeeze %dma_start3A_50 : memref<1x128xi32, #tpu.memory_space<vmem>> -> memref<128xi32, #tpu.memory_space<vmem>>
      %dma_start3A_52 = arith.constant 0 : i32
      %dma_start3A_53 = arith.constant 0 : i32
      %dma_start3A_54 = tpu.memref_slice %arg11[%dma_start3A_52, %dma_start3A_53] : memref<10112x128xf32, #tpu.memory_space<vmem_shared>> -> memref<10112x128xf32, #tpu.memory_space<vmem_shared>>
      tpu.enqueue_indirect_dma source(%arg9 : memref<128x128xf32, #tpu.memory_space<vmem>>) target(%dma_start3A_54 : memref<10112x128xf32, #tpu.memory_space<vmem_shared>>) offsets(%dma_start3A_51 : memref<128xi32, #tpu.memory_space<vmem>>) semaphore(%arg14 : memref<!tpu.dma_semaphore, #tpu.memory_space<semaphore_mem>>) {add = true}
      %dma_start3A_55 = arith.constant 0 : i32
      %dma_start3A_56 = tpu.memref_slice %arg7[%add3A_45, %dma_start3A_55] : memref<40x128xi32, #tpu.memory_space<vmem>> -> memref<1x128xi32, #tpu.memory_space<vmem>>
      %dma_start3A_57 = tpu.memref_squeeze %dma_start3A_56 : memref<1x128xi32, #tpu.memory_space<vmem>> -> memref<128xi32, #tpu.memory_space<vmem>>
      %dma_start3A_58 = arith.constant 0 : i32
      %dma_start3A_59 = arith.constant 0 : i32
      %dma_start3A_60 = tpu.memref_slice %arg4[%dma_start3A_58, %dma_start3A_59] : memref<10112x128xf32, #tpu.memory_space<hbm>> -> memref<10112x128xf32, #tpu.memory_space<hbm>>
      tpu.enqueue_indirect_dma source(%dma_start3A_60 : memref<10112x128xf32, #tpu.memory_space<hbm>>) target(%arg10 : memref<128x128xf32, #tpu.memory_space<vmem>>) offsets(%dma_start3A_57 : memref<128xi32, #tpu.memory_space<vmem>>) semaphore(%arg13 : memref<!tpu.dma_semaphore, #tpu.memory_space<semaphore_mem>>)
      %dma_wait3A_61 = arith.constant 0 : i32
      %dma_wait3A_62 = tpu.memref_slice %arg7[%add3A_45, %dma_wait3A_61] : memref<40x128xi32, #tpu.memory_space<vmem>> -> memref<1x128xi32, #tpu.memory_space<vmem>>
      %dma_wait3A_63 = tpu.memref_squeeze %dma_wait3A_62 : memref<1x128xi32, #tpu.memory_space<vmem>> -> memref<128xi32, #tpu.memory_space<vmem>>
      %dma_wait3A_64 = arith.constant 0 : i32
      %dma_wait3A_65 = arith.constant 0 : i32
      %dma_wait3A_66 = tpu.memref_slice %arg4[%dma_wait3A_64, %dma_wait3A_65] : memref<10112x128xf32, #tpu.memory_space<hbm>> -> memref<10112x128xf32, #tpu.memory_space<hbm>>
      tpu.wait_indirect_dma semaphore(%arg13 : memref<!tpu.dma_semaphore, #tpu.memory_space<semaphore_mem>>) src(%dma_wait3A_66 : memref<10112x128xf32, #tpu.memory_space<hbm>>) dst(%arg10 : memref<128x128xf32, #tpu.memory_space<vmem>>)
      %dma_wait3A_67 = arith.constant 0 : i32
      %dma_wait3A_68 = tpu.memref_slice %arg8[%mul3A_43, %dma_wait3A_67] : memref<40x128xi32, #tpu.memory_space<vmem>> -> memref<1x128xi32, #tpu.memory_space<vmem>>
      %dma_wait3A_69 = tpu.memref_squeeze %dma_wait3A_68 : memref<1x128xi32, #tpu.memory_space<vmem>> -> memref<128xi32, #tpu.memory_space<vmem>>
      %dma_wait3A_70 = arith.constant 0 : i32
      %dma_wait3A_71 = arith.constant 0 : i32
      %dma_wait3A_72 = tpu.memref_slice %arg11[%dma_wait3A_70, %dma_wait3A_71] : memref<10112x128xf32, #tpu.memory_space<vmem_shared>> -> memref<10112x128xf32, #tpu.memory_space<vmem_shared>>
      tpu.wait_indirect_dma semaphore(%arg14 : memref<!tpu.dma_semaphore, #tpu.memory_space<semaphore_mem>>) src(%arg9 : memref<128x128xf32, #tpu.memory_space<vmem>>) dst(%dma_wait3A_72 : memref<10112x128xf32, #tpu.memory_space<vmem_shared>>)
      %dma_start3A_73 = arith.constant 0 : i32
      %dma_start3A_74 = tpu.memref_slice %arg8[%add3A_45, %dma_start3A_73] : memref<40x128xi32, #tpu.memory_space<vmem>> -> memref<1x128xi32, #tpu.memory_space<vmem>>
      %dma_start3A_75 = tpu.memref_squeeze %dma_start3A_74 : memref<1x128xi32, #tpu.memory_space<vmem>> -> memref<128xi32, #tpu.memory_space<vmem>>
      %dma_start3A_76 = arith.constant 0 : i32
      %dma_start3A_77 = arith.constant 0 : i32
      %dma_start3A_78 = tpu.memref_slice %arg11[%dma_start3A_76, %dma_start3A_77] : memref<10112x128xf32, #tpu.memory_space<vmem_shared>> -> memref<10112x128xf32, #tpu.memory_space<vmem_shared>>
      tpu.enqueue_indirect_dma source(%arg10 : memref<128x128xf32, #tpu.memory_space<vmem>>) target(%dma_start3A_78 : memref<10112x128xf32, #tpu.memory_space<vmem_shared>>) offsets(%dma_start3A_75 : memref<128xi32, #tpu.memory_space<vmem>>) semaphore(%arg15 : memref<!tpu.dma_semaphore, #tpu.memory_space<semaphore_mem>>) {add = true}
      %dma_start3A_79 = arith.constant 0 : i32
      %dma_start3A_80 = tpu.memref_slice %arg7[%rem3A_48, %dma_start3A_79] : memref<40x128xi32, #tpu.memory_space<vmem>> -> memref<1x128xi32, #tpu.memory_space<vmem>>
      %dma_start3A_81 = tpu.memref_squeeze %dma_start3A_80 : memref<1x128xi32, #tpu.memory_space<vmem>> -> memref<128xi32, #tpu.memory_space<vmem>>
      %dma_start3A_82 = arith.constant 0 : i32
      %dma_start3A_83 = arith.constant 0 : i32
      %dma_start3A_84 = tpu.memref_slice %arg4[%dma_start3A_82, %dma_start3A_83] : memref<10112x128xf32, #tpu.memory_space<hbm>> -> memref<10112x128xf32, #tpu.memory_space<hbm>>
      tpu.enqueue_indirect_dma source(%dma_start3A_84 : memref<10112x128xf32, #tpu.memory_space<hbm>>) target(%arg9 : memref<128x128xf32, #tpu.memory_space<vmem>>) offsets(%dma_start3A_81 : memref<128xi32, #tpu.memory_space<vmem>>) semaphore(%arg12 : memref<!tpu.dma_semaphore, #tpu.memory_space<semaphore_mem>>)
      %dma_wait3A_85 = arith.constant 0 : i32
      %dma_wait3A_86 = tpu.memref_slice %arg7[%rem3A_48, %dma_wait3A_85] : memref<40x128xi32, #tpu.memory_space<vmem>> -> memref<1x128xi32, #tpu.memory_space<vmem>>
      %dma_wait3A_87 = tpu.memref_squeeze %dma_wait3A_86 : memref<1x128xi32, #tpu.memory_space<vmem>> -> memref<128xi32, #tpu.memory_space<vmem>>
      %dma_wait3A_88 = arith.constant 0 : i32
      %dma_wait3A_89 = arith.constant 0 : i32
      %dma_wait3A_90 = tpu.memref_slice %arg4[%dma_wait3A_88, %dma_wait3A_89] : memref<10112x128xf32, #tpu.memory_space<hbm>> -> memref<10112x128xf32, #tpu.memory_space<hbm>>
      tpu.wait_indirect_dma semaphore(%arg12 : memref<!tpu.dma_semaphore, #tpu.memory_space<semaphore_mem>>) src(%dma_wait3A_90 : memref<10112x128xf32, #tpu.memory_space<hbm>>) dst(%arg9 : memref<128x128xf32, #tpu.memory_space<vmem>>)
      %dma_wait3A_91 = arith.constant 0 : i32
      %dma_wait3A_92 = tpu.memref_slice %arg8[%add3A_45, %dma_wait3A_91] : memref<40x128xi32, #tpu.memory_space<vmem>> -> memref<1x128xi32, #tpu.memory_space<vmem>>
      %dma_wait3A_93 = tpu.memref_squeeze %dma_wait3A_92 : memref<1x128xi32, #tpu.memory_space<vmem>> -> memref<128xi32, #tpu.memory_space<vmem>>
      %dma_wait3A_94 = arith.constant 0 : i32
      %dma_wait3A_95 = arith.constant 0 : i32
      %dma_wait3A_96 = tpu.memref_slice %arg11[%dma_wait3A_94, %dma_wait3A_95] : memref<10112x128xf32, #tpu.memory_space<vmem_shared>> -> memref<10112x128xf32, #tpu.memory_space<vmem_shared>>
      tpu.wait_indirect_dma semaphore(%arg15 : memref<!tpu.dma_semaphore, #tpu.memory_space<semaphore_mem>>) src(%arg10 : memref<128x128xf32, #tpu.memory_space<vmem>>) dst(%dma_wait3A_96 : memref<10112x128xf32, #tpu.memory_space<vmem_shared>>)
    }
    %scan3A_39 = arith.constant 20 : i32
    %barrier3A_40 = arith.constant 0 : index
    tpu.barrier barrier_id(%barrier3A_40)
    "tpu.region"() ({
      %run_scoped3A = tpu.sem_alloc : memref<!tpu.dma_semaphore, #tpu.memory_space<semaphore_mem>>
      %dma_start3A_41 = arith.constant 0 : i32
      %dma_start3A_42 = tpu.memref_slice %arg6[%arg0, %mul3A_2, %dma_start3A_41] : memref<2x10112x128xf32, #tpu.memory_space<hbm>> -> memref<1x632x128xf32, #tpu.memory_space<hbm>>
      %dma_start3A_43 = tpu.memref_squeeze %dma_start3A_42 : memref<1x632x128xf32, #tpu.memory_space<hbm>> -> memref<632x128xf32, #tpu.memory_space<hbm>>
      %dma_start3A_44 = arith.constant 0 : i32
      %dma_start3A_45 = tpu.memref_slice %arg11[%mul3A_2, %dma_start3A_44] : memref<10112x128xf32, #tpu.memory_space<vmem_shared>> -> memref<632x128xf32, #tpu.memory_space<vmem_shared>>
      tpu.enqueue_dma source(%dma_start3A_45 : memref<632x128xf32, #tpu.memory_space<vmem_shared>>) target(%dma_start3A_43 : memref<632x128xf32, #tpu.memory_space<hbm>>) target_semaphore(%run_scoped3A : memref<!tpu.dma_semaphore, #tpu.memory_space<semaphore_mem>>)
      %dma_wait3A_46 = arith.constant 0 : i32
      %dma_wait3A_47 = tpu.memref_slice %arg6[%arg0, %mul3A_2, %dma_wait3A_46] : memref<2x10112x128xf32, #tpu.memory_space<hbm>> -> memref<1x632x128xf32, #tpu.memory_space<hbm>>
      %dma_wait3A_48 = tpu.memref_squeeze %dma_wait3A_47 : memref<1x632x128xf32, #tpu.memory_space<hbm>> -> memref<632x128xf32, #tpu.memory_space<hbm>>
      %dma_wait3A_49 = arith.constant 0 : i32
      %dma_wait3A_50 = tpu.memref_slice %arg11[%mul3A_2, %dma_wait3A_49] : memref<10112x128xf32, #tpu.memory_space<vmem_shared>> -> memref<632x128xf32, #tpu.memory_space<vmem_shared>>
      tpu.wait_dma2 semaphore(%run_scoped3A : memref<!tpu.dma_semaphore, #tpu.memory_space<semaphore_mem>>) src(%dma_wait3A_50 : memref<632x128xf32, #tpu.memory_space<vmem_shared>>) dst(%dma_wait3A_48 : memref<632x128xf32, #tpu.memory_space<hbm>>)
      tpu.yield
    }) : () -> ()
    return
  }
}

module attributes {stable_mosaic.version = 14 : i64} {
  func.func @_dinv_body(%arg0: memref<32x10112xf32, #tpu.memory_space<vmem>>, %arg1: memref<1x10112xf32, #tpu.memory_space<vmem>>) attributes {dimension_semantics = [], scalar_prefetch = 0 : i64, scratch_operands = 0 : i64, tpu.core_type = #tpu.core_type<tc>} {
    %get3A = arith.constant 0 : index
    %get3A_0 = arith.constant 0 : index
    %get3A_1 = vector.load %arg0[%get3A, %get3A_0] : memref<32x10112xf32, #tpu.memory_space<vmem>>, vector<32x10112xf32>
    %reduce_sum3A = arith.constant dense<0.000000e+00> : vector<10112xf32>
    %reduce_sum3A_2 = vector.multi_reduction <add>, %get3A_1, %reduce_sum3A [0] : vector<32x10112xf32> to vector<10112xf32>
    %broadcast_in_dim3A = vector.shape_cast %reduce_sum3A_2 : vector<10112xf32> to vector<1x10112xf32>
    %add3A = arith.constant 1.000000e+00 : f32
    %add3A_3 = vector.broadcast %add3A : f32 to vector<1x10112xf32>
    %add3A_4 = arith.addf %broadcast_in_dim3A, %add3A_3 : vector<1x10112xf32>
    %rsqrt3A = math.rsqrt %add3A_4 : vector<1x10112xf32>
    %swap3A = arith.constant 0 : index
    %swap3A_5 = arith.constant 0 : index
    %swap3A_6 = vector.load %arg1[%swap3A, %swap3A_5] : memref<1x10112xf32, #tpu.memory_space<vmem>>, vector<1x10112xf32>
    tpu.vector_store %arg1[%swap3A, %swap3A_5], %rsqrt3A {strides = array<i32>} : memref<1x10112xf32, #tpu.memory_space<vmem>>, vector<1x10112xf32>,
    return
  }
}

module attributes {stable_mosaic.version = 14 : i64} {
  func.func @_zw_body(%arg0: i32, %arg1: memref<1264x128xf32, #tpu.memory_space<vmem>>, %arg2: memref<128x128xf32, #tpu.memory_space<vmem>>, %arg3: memref<1264x1xf32, #tpu.memory_space<vmem>>, %arg4: memref<1264x128xf32, #tpu.memory_space<vmem>>) attributes {dimension_semantics = [#tpu.dimension_semantics<arbitrary>], iteration_bounds = array<i64: 8>, scalar_prefetch = 0 : i64, scratch_operands = 0 : i64, tpu.core_type = #tpu.core_type<tc>, window_params = [{transform_indices = @transform_0, window_bounds = array<i64: 1264, 128>}, {pipeline_mode = #tpu.pipeline_mode<synchronous>, transform_indices = @transform_1, window_bounds = array<i64: 128, 128>}, {transform_indices = @transform_2, window_bounds = array<i64: 1264, 1>}, {transform_indices = @transform_3, window_bounds = array<i64: 1264, 128>}]} {
    %get3A = arith.constant 0 : index
    %get3A_0 = arith.constant 0 : index
    %get3A_1 = vector.load %arg1[%get3A, %get3A_0] : memref<1264x128xf32, #tpu.memory_space<vmem>>, vector<1264x128xf32>
    %get3A_2 = arith.constant 0 : index
    %get3A_3 = arith.constant 0 : index
    %get3A_4 = vector.load %arg2[%get3A_2, %get3A_3] : memref<128x128xf32, #tpu.memory_space<vmem>>, vector<128x128xf32>
    %dot_general3A = arith.constant dense<0.000000e+00> : vector<1264x128xf32>
    %dot_general3A_5 = tpu.matmul %get3A_1, %get3A_4, %dot_general3A {dimension_numbers = #tpu.dot_dimension_numbers<[1], [0], [0], [1], [0, 0, 1, 1], [], []>, transpose_lhs_hint = false} : vector<1264x128xf32>, vector<128x128xf32>, vector<1264x128xf32> -> vector<1264x128xf32>
    %get3A_6 = arith.constant 0 : index
    %get3A_7 = arith.constant 0 : index
    %get3A_8 = vector.load %arg3[%get3A_6, %get3A_7] : memref<1264x1xf32, #tpu.memory_space<vmem>>, vector<1264x1xf32>
    %mul3A = vector.broadcast %get3A_8 : vector<1264x1xf32> to vector<1264x128xf32>
    %mul3A_9 = arith.mulf %dot_general3A_5, %mul3A : vector<1264x128xf32>
    %swap3A = arith.constant 0 : index
    %swap3A_10 = arith.constant 0 : index
    %swap3A_11 = vector.load %arg4[%swap3A, %swap3A_10] : memref<1264x128xf32, #tpu.memory_space<vmem>>, vector<1264x128xf32>
    tpu.vector_store %arg4[%swap3A, %swap3A_10], %mul3A_9 {strides = array<i32>} : memref<1264x128xf32, #tpu.memory_space<vmem>>, vector<1264x128xf32>,
    return
  }
  func.func @transform_0(%arg0: i32) -> (i32, i32) {
    %c0_i32 = arith.constant 0 : i32
    %c0_i32_0 = arith.constant 0 : i32
    return %arg0, %c0_i32 : i32, i32
  }
  func.func @transform_1(%arg0: i32) -> (i32, i32) {
    %c0_i32 = arith.constant 0 : i32
    %c0_i32_0 = arith.constant 0 : i32
    %c0_i32_1 = arith.constant 0 : i32
    return %c0_i32, %c0_i32_0 : i32, i32
  }
  func.func @transform_2(%arg0: i32) -> (i32, i32) {
    %c0_i32 = arith.constant 0 : i32
    %c0_i32_0 = arith.constant 0 : i32
    return %arg0, %c0_i32 : i32, i32
  }
  func.func @transform_3(%arg0: i32) -> (i32, i32) {
    %c0_i32 = arith.constant 0 : i32
    %c0_i32_0 = arith.constant 0 : i32
    return %arg0, %c0_i32 : i32, i32
  }
}

module attributes {stable_mosaic.version = 14 : i64} {
  func.func @_mid_body(%arg0: i32, %arg1: memref<2x1264x128xf32, #tpu.memory_space<vmem>>, %arg2: memref<1264x128xf32, #tpu.memory_space<vmem>>, %arg3: memref<1264x1xf32, #tpu.memory_space<vmem>>, %arg4: memref<1x128xf32, #tpu.memory_space<vmem>>, %arg5: memref<128x64xf32, #tpu.memory_space<vmem>>, %arg6: memref<1264x64xf32, #tpu.memory_space<vmem>>) attributes {dimension_semantics = [#tpu.dimension_semantics<arbitrary>], iteration_bounds = array<i64: 8>, scalar_prefetch = 0 : i64, scratch_operands = 0 : i64, tpu.core_type = #tpu.core_type<tc>, window_params = [{transform_indices = @transform_0, window_bounds = array<i64: 2, 1264, 128>}, {transform_indices = @transform_1, window_bounds = array<i64: 1264, 128>}, {transform_indices = @transform_2, window_bounds = array<i64: 1264, 1>}, {pipeline_mode = #tpu.pipeline_mode<synchronous>, transform_indices = @transform_3, window_bounds = array<i64: 1, 128>}, {pipeline_mode = #tpu.pipeline_mode<synchronous>, transform_indices = @transform_4, window_bounds = array<i64: 128, 64>}, {transform_indices = @transform_5, window_bounds = array<i64: 1264, 64>}]} {
    %get3A = arith.constant 0 : index
    %get3A_0 = arith.constant 0 : index
    %get3A_1 = arith.constant 0 : index
    %get3A_2 = vector.load %arg1[%get3A, %get3A_0, %get3A_1] : memref<2x1264x128xf32, #tpu.memory_space<vmem>>, vector<1x1264x128xf32>
    %get3A_3 = vector.shape_cast %get3A_2 : vector<1x1264x128xf32> to vector<1264x128xf32>
    %get3A_4 = arith.constant 1 : index
    %get3A_5 = arith.constant 0 : index
    %get3A_6 = arith.constant 0 : index
    %get3A_7 = vector.load %arg1[%get3A_4, %get3A_5, %get3A_6] : memref<2x1264x128xf32, #tpu.memory_space<vmem>>, vector<1x1264x128xf32>
    %get3A_8 = vector.shape_cast %get3A_7 : vector<1x1264x128xf32> to vector<1264x128xf32>
    %add3A = arith.addf %get3A_3, %get3A_8 : vector<1264x128xf32>
    %get3A_9 = arith.constant 0 : index
    %get3A_10 = arith.constant 0 : index
    %get3A_11 = vector.load %arg2[%get3A_9, %get3A_10] : memref<1264x128xf32, #tpu.memory_space<vmem>>, vector<1264x128xf32>
    %add3A_12 = arith.addf %add3A, %get3A_11 : vector<1264x128xf32>
    %get3A_13 = arith.constant 0 : index
    %get3A_14 = arith.constant 0 : index
    %get3A_15 = vector.load %arg3[%get3A_13, %get3A_14] : memref<1264x1xf32, #tpu.memory_space<vmem>>, vector<1264x1xf32>
    %mul3A = vector.broadcast %get3A_15 : vector<1264x1xf32> to vector<1264x128xf32>
    %mul3A_16 = arith.mulf %add3A_12, %mul3A : vector<1264x128xf32>
    %get3A_17 = arith.constant 0 : index
    %get3A_18 = arith.constant 0 : index
    %get3A_19 = vector.load %arg4[%get3A_17, %get3A_18] : memref<1x128xf32, #tpu.memory_space<vmem>>, vector<1x128xf32>
    %add3A_20 = vector.broadcast %get3A_19 : vector<1x128xf32> to vector<1264x128xf32>
    %add3A_21 = arith.addf %mul3A_16, %add3A_20 : vector<1264x128xf32>
    %max3A = arith.constant 0.000000e+00 : f32
    %max3A_22 = vector.broadcast %max3A : f32 to vector<1264x128xf32>
    %max3A_23 = arith.maximumf %add3A_21, %max3A_22 : vector<1264x128xf32>
    %get3A_24 = arith.constant 0 : index
    %get3A_25 = arith.constant 0 : index
    %get3A_26 = vector.load %arg5[%get3A_24, %get3A_25] : memref<128x64xf32, #tpu.memory_space<vmem>>, vector<128x64xf32>
    %dot_general3A = arith.constant dense<0.000000e+00> : vector<1264x64xf32>
    %dot_general3A_27 = tpu.matmul %max3A_23, %get3A_26, %dot_general3A {dimension_numbers = #tpu.dot_dimension_numbers<[1], [0], [0], [1], [0, 0, 1, 1], [], []>, transpose_lhs_hint = false} : vector<1264x128xf32>, vector<128x64xf32>, vector<1264x64xf32> -> vector<1264x64xf32>
    %get3A_28 = arith.constant 0 : index
    %get3A_29 = arith.constant 0 : index
    %get3A_30 = vector.load %arg3[%get3A_28, %get3A_29] : memref<1264x1xf32, #tpu.memory_space<vmem>>, vector<1264x1xf32>
    %mul3A_31 = vector.broadcast %get3A_30 : vector<1264x1xf32> to vector<1264x64xf32>
    %mul3A_32 = arith.mulf %dot_general3A_27, %mul3A_31 : vector<1264x64xf32>
    %swap3A = arith.constant 0 : index
    %swap3A_33 = arith.constant 0 : index
    %swap3A_34 = vector.load %arg6[%swap3A, %swap3A_33] : memref<1264x64xf32, #tpu.memory_space<vmem>>, vector<1264x64xf32>
    tpu.vector_store %arg6[%swap3A, %swap3A_33], %mul3A_32 {strides = array<i32>} : memref<1264x64xf32, #tpu.memory_space<vmem>>, vector<1264x64xf32>,
    return
  }
  func.func @transform_0(%arg0: i32) -> (i32, i32, i32) {
    %c0_i32 = arith.constant 0 : i32
    %c0_i32_0 = arith.constant 0 : i32
    %c0_i32_1 = arith.constant 0 : i32
    return %c0_i32, %arg0, %c0_i32_0 : i32, i32, i32
  }
  func.func @transform_1(%arg0: i32) -> (i32, i32) {
    %c0_i32 = arith.constant 0 : i32
    %c0_i32_0 = arith.constant 0 : i32
    return %arg0, %c0_i32 : i32, i32
  }
  func.func @transform_2(%arg0: i32) -> (i32, i32) {
    %c0_i32 = arith.constant 0 : i32
    %c0_i32_0 = arith.constant 0 : i32
    return %arg0, %c0_i32 : i32, i32
  }
  func.func @transform_3(%arg0: i32) -> (i32, i32) {
    %c0_i32 = arith.constant 0 : i32
    %c0_i32_0 = arith.constant 0 : i32
    %c0_i32_1 = arith.constant 0 : i32
    return %c0_i32, %c0_i32_0 : i32, i32
  }
  func.func @transform_4(%arg0: i32) -> (i32, i32) {
    %c0_i32 = arith.constant 0 : i32
    %c0_i32_0 = arith.constant 0 : i32
    %c0_i32_1 = arith.constant 0 : i32
    return %c0_i32, %c0_i32_0 : i32, i32
  }
  func.func @transform_5(%arg0: i32) -> (i32, i32) {
    %c0_i32 = arith.constant 0 : i32
    %c0_i32_0 = arith.constant 0 : i32
    return %arg0, %c0_i32 : i32, i32
  }
}

module attributes {stable_mosaic.version = 14 : i64} {
  func.func @_final_body(%arg0: i32, %arg1: memref<2x1264x64xf32, #tpu.memory_space<vmem>>, %arg2: memref<1264x64xf32, #tpu.memory_space<vmem>>, %arg3: memref<1264x1xf32, #tpu.memory_space<vmem>>, %arg4: memref<1x64xf32, #tpu.memory_space<vmem>>, %arg5: memref<1264x64xf32, #tpu.memory_space<vmem>>) attributes {dimension_semantics = [#tpu.dimension_semantics<arbitrary>], iteration_bounds = array<i64: 8>, scalar_prefetch = 0 : i64, scratch_operands = 0 : i64, tpu.core_type = #tpu.core_type<tc>, window_params = [{transform_indices = @transform_0, window_bounds = array<i64: 2, 1264, 64>}, {transform_indices = @transform_1, window_bounds = array<i64: 1264, 64>}, {transform_indices = @transform_2, window_bounds = array<i64: 1264, 1>}, {pipeline_mode = #tpu.pipeline_mode<synchronous>, transform_indices = @transform_3, window_bounds = array<i64: 1, 64>}, {transform_indices = @transform_4, window_bounds = array<i64: 1264, 64>}]} {
    %get3A = arith.constant 0 : index
    %get3A_0 = arith.constant 0 : index
    %get3A_1 = arith.constant 0 : index
    %get3A_2 = vector.load %arg1[%get3A, %get3A_0, %get3A_1] : memref<2x1264x64xf32, #tpu.memory_space<vmem>>, vector<1x1264x64xf32>
    %get3A_3 = vector.shape_cast %get3A_2 : vector<1x1264x64xf32> to vector<1264x64xf32>
    %get3A_4 = arith.constant 1 : index
    %get3A_5 = arith.constant 0 : index
    %get3A_6 = arith.constant 0 : index
    %get3A_7 = vector.load %arg1[%get3A_4, %get3A_5, %get3A_6] : memref<2x1264x64xf32, #tpu.memory_space<vmem>>, vector<1x1264x64xf32>
    %get3A_8 = vector.shape_cast %get3A_7 : vector<1x1264x64xf32> to vector<1264x64xf32>
    %add3A = arith.addf %get3A_3, %get3A_8 : vector<1264x64xf32>
    %get3A_9 = arith.constant 0 : index
    %get3A_10 = arith.constant 0 : index
    %get3A_11 = vector.load %arg2[%get3A_9, %get3A_10] : memref<1264x64xf32, #tpu.memory_space<vmem>>, vector<1264x64xf32>
    %add3A_12 = arith.addf %add3A, %get3A_11 : vector<1264x64xf32>
    %get3A_13 = arith.constant 0 : index
    %get3A_14 = arith.constant 0 : index
    %get3A_15 = vector.load %arg3[%get3A_13, %get3A_14] : memref<1264x1xf32, #tpu.memory_space<vmem>>, vector<1264x1xf32>
    %mul3A = vector.broadcast %get3A_15 : vector<1264x1xf32> to vector<1264x64xf32>
    %mul3A_16 = arith.mulf %add3A_12, %mul3A : vector<1264x64xf32>
    %get3A_17 = arith.constant 0 : index
    %get3A_18 = arith.constant 0 : index
    %get3A_19 = vector.load %arg4[%get3A_17, %get3A_18] : memref<1x64xf32, #tpu.memory_space<vmem>>, vector<1x64xf32>
    %add3A_20 = vector.broadcast %get3A_19 : vector<1x64xf32> to vector<1264x64xf32>
    %add3A_21 = arith.addf %mul3A_16, %add3A_20 : vector<1264x64xf32>
    %swap3A = arith.constant 0 : index
    %swap3A_22 = arith.constant 0 : index
    %swap3A_23 = vector.load %arg5[%swap3A, %swap3A_22] : memref<1264x64xf32, #tpu.memory_space<vmem>>, vector<1264x64xf32>
    tpu.vector_store %arg5[%swap3A, %swap3A_22], %add3A_21 {strides = array<i32>} : memref<1264x64xf32, #tpu.memory_space<vmem>>, vector<1264x64xf32>,
    return
  }
  func.func @transform_0(%arg0: i32) -> (i32, i32, i32) {
    %c0_i32 = arith.constant 0 : i32
    %c0_i32_0 = arith.constant 0 : i32
    %c0_i32_1 = arith.constant 0 : i32
    return %c0_i32, %arg0, %c0_i32_0 : i32, i32, i32
  }
  func.func @transform_1(%arg0: i32) -> (i32, i32) {
    %c0_i32 = arith.constant 0 : i32
    %c0_i32_0 = arith.constant 0 : i32
    return %arg0, %c0_i32 : i32, i32
  }
  func.func @transform_2(%arg0: i32) -> (i32, i32) {
    %c0_i32 = arith.constant 0 : i32
    %c0_i32_0 = arith.constant 0 : i32
    return %arg0, %c0_i32 : i32, i32
  }
  func.func @transform_3(%arg0: i32) -> (i32, i32) {
    %c0_i32 = arith.constant 0 : i32
    %c0_i32_0 = arith.constant 0 : i32
    %c0_i32_1 = arith.constant 0 : i32
    return %c0_i32, %c0_i32_0 : i32, i32
  }
  func.func @transform_4(%arg0: i32) -> (i32, i32) {
    %c0_i32 = arith.constant 0 : i32
    %c0_i32_0 = arith.constant 0 : i32
    return %arg0, %c0_i32 : i32, i32
  }
}

</mosaic_0001>

<sc_bundles>
// kernel: kernel.12.cloned.1.call-start
scs
__scs_entry_jumppad:
0x0: {  	(pc) =	sbr.rel $0x88, $3  }
0x1: {  	(tag) =	ssettag $0x0;
	lr =	simm.s32 $0x1  }
0x2: {  	[smem:$0x3F9B] =	sst lr;
	_ =	strace $0xD0000000  }
0x3: {  	_ = 	snop  }
0x4: {  	_ = 	snop  }
0x5: {  	_ = 	snop  }
0x6: {  	_ = 	snop  }
0x7: {  	_ = 	snop  }
__scs_overlays_trampoline_lowered:
0x8: {  	[smem:$0x3FAA] =	sst s0  }
0x9: {  	[smem:$0x3FAB] =	sst s1  }
0xa: {  	[smem:$0x3FAC] =	sst s2  }
0xb: {  	[smem:$0x3FAD] =	sst s3  }
0xc: {  	[smem:$0x3FAE] =	sst s4  }
0xd: {  	[smem:$0x3FAF] =	sst s5  }
0xe: {  	[smem:$0x3FB0] =	sst s6  }
0xf: {  	[smem:$0x3FB1] =	sst s7  }
0x10: {  	[smem:$0x3FB2] =	sst s8  }
0x11: {  	[smem:$0x3FB3] =	sst s9;
	s0 =	simm.s32 @!p0 $0x0  }
0x12: {  	s1 =	sld [smem:$0x3F99];
	s0 =	simm.s32 @p0 $0x1  }
0x13: {  	[smem:$0x3FB4] =	sst s0;
	s0 =	simm.s32 @!p1 $0x0  }
0x14: {  	s2 =	sld [smem:$0x3F98];
	s0 =	simm.s32 @p1 $0x1  }
0x15: {  	[smem:$0x3FB5] =	sst s0;
	s0 =	simm.s32 @!p2 $0x0  }
0x16: {  	s3 =	sld [smem:$0x3FDB];
	s0 =	simm.s32 @p2 $0x1  }
0x17: {  	s4 =	simm.s32 $0x1BF5;
	[smem:$0x3FB7] =	sst s0  }
0x18: {  	s0 =	sld [smem:$0x3F9A];
	_ =	swait.ge [sflag:s4], $0x0  }
0x19: {  	s7 =	sld [smem:$0x3F9B]  }
0x1a: {  	s8 =	sadd.s32 $0xFFFFE003, lr  }
0x1b: {  	s9 =	sadd.s32 $0xFFFFFEF7, lr;
	s5 =	simm.s32 $0xFFFFFFFF;
	p2 =	slt.u32 s8, $0xFFFFF086  }
0x1c: {  	p1 =	slt.u32 s9, $0xF7A;
	s5 =	simm.s32 @!p2 $0x0  }
0x1d: {  	s5 =	simm.s32 @p1 $0x1;
	p0 =	seq.s32 s7, s2  }
0x1e: {  	s7 =	smul.u32 @!p0 $0xF7A, s2;
	p2 =	seq.s32 @!p0 s5, $0x0  }
0x1f: {  	s9 =	smul.u32 $0xF7A, s1;
	s8 =	simm.s32 @!p0 $0x1BF5;
	p2 =	por !p2, p0  }
0x20: {  	[sflag:s8] =	ssyncset.s32 @!p0 $0xFFFFF086;
	s6 =	sadd.s32 @!p0 s3, s7;
	s7 =	simm.s32 @!p0 $0x108  }
0x21: {  	s3 =	sadd.s32 s3, s9;
	s6 =	sadd.s32 @!p0 $0x88, s6;
	s7 =	simm.s32 @p2 $0x1082  }
0x22: {  	[simem:s7], [sflag:s8] =	dma.local @!p0 [hbm:s6], $0xF7A  }
0x23: {  	s9 =	sor.u32 $0xD0000000, s2;
	s6 =	simm.s32 $0x108;
	_ =	swait.ge @!p0 [sflag:s8], $0x0  }
0x24: {  	s3 =	sadd.s32 $0x88, s3;
	s6 =	simm.s32 @!p1 $0x1082;
	[sflag:s4] =	ssyncset.s32 $0xFFFFF086  }
0x25: {  	[simem:s6], [sflag:s4] =	dma.local [hbm:s3], $0xF7A  }
0x26: {  	[smem:$0x3F9B] =	sst s1;
	(tag) =	ssettag s2;
	_ =	strace s9  }
0x27: {  	s1 =	sld [smem:$0x3FAB]  }
0x28: {  	s2 =	sld [smem:$0x3FAC]  }
0x29: {  	s4 =	sld [smem:$0x3FAE]  }
0x2a: {  	p0 =	seq.s32 s5, $0x0;
	s5 =	sld [smem:$0x3FAF]  }
0x2b: {  	s6 =	sld [smem:$0x3FB0]  }
0x2c: {  	s7 =	sld [smem:$0x3FB1]  }
0x2d: {  	s3 =	simm.s32 $0x108;
	s8 =	sld [smem:$0x3FB2]  }
0x2e: {  	s3 =	simm.s32 @!p0 $0x1082;
	s9 =	sld [smem:$0x3FB3]  }
0x2f: {  	lr =	sadd.s32 s0, s3;
	s0 =	sld [smem:$0x3FAA]  }
0x30: {  	s3 =	sld [smem:$0x3FAD]  }
0x31: {  	[smem:$0x3FB6] =	sst s10  }
0x32: {  	s10 =	sld [smem:$0x3FB4];
	_ =	sdelay $0x3  }
0x33: {  	p0 =	seq.s32 s10, $0x1;
	s10 =	sld [smem:$0x3FB6];
	_ =	sdelay $0x3  }
0x34: {  	[smem:$0x3FB6] =	sst s10  }
0x35: {  	s10 =	sld [smem:$0x3FB5];
	_ =	sdelay $0x3  }
0x36: {  	p1 =	seq.s32 s10, $0x1;
	s10 =	sld [smem:$0x3FB6];
	_ =	sdelay $0x3  }
0x37: {  	[smem:$0x3FB6] =	sst s10  }
0x38: {  	s10 =	sld [smem:$0x3FB7]  }
0x39: {  	_ = 	snop;
	(pc) =	sbr.ind lr, $3  }
0x3a: {  	_ = 	snop  }
0x3b: {  	_ = 	snop  }
0x3c: {  	p2 =	seq.s32 s10, $0x1;
	s10 =	sld [smem:$0x3FB6]  }
0x3d: {  	_ =	shalt  }
0x3e: {  	_ =	shalt  }
0x3f: {  	_ =	shalt  }
0x40: {  	_ =	shalt  }
0x41: {  	_ =	shalt  }
0x42: {  	_ =	shalt  }
0x43: {  	_ =	shalt  }
0x44: {  	_ =	shalt  }
0x45: {  	_ =	shalt  }
0x46: {  	_ =	shalt  }
0x47: {  	_ =	shalt  }
0x48: {  	_ =	shalt  }
0x49: {  	_ =	shalt  }
0x4a: {  	_ =	shalt  }
0x4b: {  	_ =	shalt  }
0x4c: {  	_ =	shalt  }
0x4d: {  	_ =	shalt  }
0x4e: {  	_ =	shalt  }
0x4f: {  	_ =	shalt  }
0x50: {  	_ =	shalt  }
0x51: {  	_ =	shalt  }
0x52: {  	_ =	shalt  }
0x53: {  	_ =	shalt  }
0x54: {  	_ =	shalt  }
0x55: {  	_ =	shalt  }
0x56: {  	_ =	shalt  }
0x57: {  	_ =	shalt  }
0x58: {  	_ =	shalt  }
0x59: {  	_ =	shalt  }
0x5a: {  	_ =	shalt  }
0x5b: {  	_ =	shalt  }
0x5c: {  	_ =	shalt  }
0x5d: {  	_ =	shalt  }
0x5e: {  	_ =	shalt  }
0x5f: {  	_ =	shalt  }
0x60: {  	_ =	shalt  }
0x61: {  	_ =	shalt  }
0x62: {  	_ =	shalt  }
0x63: {  	_ =	shalt  }
0x64: {  	_ =	shalt  }
0x65: {  	_ =	shalt  }
0x66: {  	_ =	shalt  }
0x67: {  	_ =	shalt  }
0x68: {  	_ =	shalt  }
0x69: {  	_ =	shalt  }
0x6a: {  	_ =	shalt  }
0x6b: {  	_ =	shalt  }
0x6c: {  	_ =	shalt  }
0x6d: {  	_ =	shalt  }
0x6e: {  	_ =	shalt  }
0x6f: {  	_ =	shalt  }
0x70: {  	_ =	shalt  }
0x71: {  	_ =	shalt  }
0x72: {  	_ =	shalt  }
0x73: {  	_ =	shalt  }
0x74: {  	_ =	shalt  }
0x75: {  	_ =	shalt  }
0x76: {  	_ =	shalt  }
0x77: {  	_ =	shalt  }
0x78: {  	_ =	shalt  }
0x79: {  	_ =	shalt  }
0x7a: {  	_ =	shalt  }
0x7b: {  	_ =	shalt  }
0x7c: {  	_ =	shalt  }
0x7d: {  	_ =	shalt  }
0x7e: {  	_ =	shalt  }
0x7f: {  	_ =	shalt  }
0x80: {  	_ =	shalt  }
0x81: {  	_ =	shalt  }
0x82: {  	_ =	shalt  }
0x83: {  	_ =	shalt  }
0x84: {  	_ =	shalt  }
0x85: {  	_ =	shalt  }
0x86: {  	_ =	shalt  }
0x87: {  	_ =	shalt  }
.Lfunc_end0:
.L_simem_size_0:
called_computation.1_lowered:
.L_overlay_start_0:
0x88: {  	s2 =	sld [smem:$0x3FD9]  }
0x89: {  	s3 =	sld [smem:$0x3FFE];
	_ =	sdelay $0x1  }
0x8a: {  	s1 =	srdreg.scid  }
0x8b: {  	s0 =	sand.u32 $0x1, s1  }
0x8c: {  	s16 =	sshll.u32 s0, $0xA;
	s2 =	sadd.s32 s3, s2  }
0x8d: {  	s2 =	sadd.s32 s2, s16  }
0x8e: {  	[smem:$0x3FC2] =	sst s2  }
0x8f: {  	_ = 	snop  }
0x90: {  	(tm) =	ssettm $0x1  }
0x91: {  	s17 =	sld [smem:$0x3FFB];
	_ =	sdelay $0x3  }
0x92: {  	_ =	strace s17  }
0x93: {  	s2 =	sld [smem:$0x3FFC];
	_ =	sdelay $0x3  }
0x94: {  	_ =	strace s2  }
0x95: {  	s2 =	sld [smem:$0x3FFD];
	_ =	sdelay $0x3  }
0x96: {  	_ =	strace s2  }
0x97: {  	_ =	strace $0x8FFFFFFF  }
0x98: {  	s18 =	sld [smem:$0x3FDB];
	_ =	sdelay $0x1  }
0x99: {  	s19 =	simm.s32 $_scs_section_size  }
0x9a: {  	s4 =	simm.s32 $_size__tile_overlayer_lowered;
	s5 =	simm.s32 $_tile_overlayer_lowered  }
0x9b: {  	s22 =	simm.s32 $0x1BFF;
	s21 =	sshll.u32 s5, $0x1;
	s2 =	sadd.s32 s19, s18  }
0x9c: {  	s6 =	simm.s32 $0x0;
	s20 =	sshll.u32 s4, $0x1;
	s4 =	sadd.s32 s21, s2  }
0x9d: {  	[timem:s6], [sflag:s22] =	dma.local [hbm:s4], s20  }
0x9e: {  	_ =	swait.ge [sflag:s22], s20  }
0x9f: {  	s3 =	ssub.s32 $0x0, s20;
	[sflag:s22] =	ssyncset.done $0x0  }
0xa0: {  	[sflag:s22] =	ssyncadd.s32 s3;
	_ =	sdelay $0x1  }
0xa1: {  	s23 =	simm.s32 $0x1B8B  }
0xa2: {  	_ =	swait.ge [sflag:s23], $0x1  }
0xa3: {  	[sflag:s23] =	ssyncset.done $0x0  }
0xa4: {  	s25 =	simm.s32 $0x1B8E;
	s24 =	sld [smem:$0x3FFE];
	[sflag:s23] =	ssyncadd.s32 $0xFFFFFFFF  }
0xa5: {  	s26 =	simm.s32 $execute0_lowered;
	[smem:$0x3FD2] =	sst s25  }
0xa6: {  	s4 =	sshll.u32 s26, $0x1;
	_ =	strace $0x80000049;
	[dreg:$0x1] =	wrdreg $0xFFFFFFFF  }
0xa7: {  	s28 =	simm.s32 $_size_execute0_lowered;
	s2 =	sadd.s32 s2, s4;
	[dreg:$0x0] =	wrdreg $0x0  }
0xa8: {  	s4 =	sshll.u32 s28, $0x1;
	[dreg:$0x2] =	wrdreg s2  }
0xa9: {  	[dreg:$0x3] =	wrdreg s4  }
0xaa: {  	[dreg:$0x4] =	wrdreg $0xC0  }
0xab: {  	_ =	task [dreg:s6], $0x5FFFF  }
0xac: {  	[dreg:$0x1] =	wrdreg $0xFFFFFFFF  }
0xad: {  	[dreg:$0x0] =	wrdreg $0x60  }
0xae: {  	[dreg:$0x2] =	wrdreg s24  }
0xaf: {  	[dreg:$0x3] =	wrdreg $0xA8000  }
0xb0: {  	[dreg:$0x4] =	wrdreg $0x9  }
0xb1: {  	_ =	task.clear_ibuf [dreg:s6], $0x5FFFF;
	_ =	strace $0x90000049  }
0xb2: {  	s29 =	simm.s32 $0x9;
	_ =	strace $0x8000004B  }
0xb3: {  	_ =	swait.ge [sflag:s29], $0x1  }
0xb4: {  	[sflag:s29] =	ssyncadd.s32 $0xFFFFFFFF  }
0xb5: {  	_ =	strace $0x9000004B  }
0xb6: {  	_ =	sfence  }
0xb7: {  	s30 =	sld [smem:$0x0];
	_ =	sdelay $0x2  }
0xb8: {  	s31 =	sshll.u32 s1, $0xD;
	s1 =	sshrl.u32 s1, $0x2  }
0xb9: {  	s3 =	sand.u32 $0x4000, s31;
	s1 =	sadd.s32 s1, s30  }
0xba: {  	s0 =	sor.u32 s3, s0;
	s1 =	sshll.u32 s1, $0x11  }
0xbb: {  	s0 =	sor.u32 s1, s0  }
0xbc: {  	s0 =	sadd.s32 $0x8F2B, s0  }
0xbd: {  	[sflag:s0] =	ssyncadd.remote.s32 $0x1  }
0xbe: {  	_ =	sfence.sel $0xFFFF  }
0xbf: {  	[dreg:$0x0] =	wrdreg $0xFFFFFFFF;
	(pc) =	sbr.abs _section_cstart, $3  }
0xc0: {  	[dreg:$0x1] =	wrdreg $0xFFFFFFFF  }
0xc1: {  	_ =	task.clear_ibuf [dreg:s6], $0x2FFFF;
	_ =	strace $0x9FFFFFFF  }
0xc2: {  	(tm) =	ssettm $0x7FFFFFFF  }
0xc3: {  	_ =	shalt  }
tec
execute0_lowered:
.L_overlay_start_1:
0x0: {  	(tag) =	ssettag $0x1  }
0x1: {  	s5 =	rddreg [dreg:$0x0]  }
0x2: {  	s2 =	rddreg [dreg:$0x1];
	s3 =	simm.s32 $0x0;
	s1 =	stileid.u32  }
0x3: {  	s4 =	srdreg.scid;
	s16 =	simm.s32 $0x80;
	s17 =	simm.s32 $0x2800  }
0x4: {  	s18 =	simm.s32 $0x1;
	s19 =	simm.s32 $0x6800;
	s20 =	simm.s32 $0x2  }
0x5: {  	s21 =	simm.s32 $0x3;
	s22 =	simm.s32 $0x4;
	s23 =	simm.s32 $0x2700  }
0x6: {  	s24 =	simm.s32 $0x1380;
	s25 =	simm.s32 $0x2780;
	[smem:$0x7FF] =	sst s3  }
0x7: {  	s6 =	smul.u32 $0x13C00, s1;
	s7 =	sand.u32 $0x1, s4;
	s9 =	sadd.s32 $0x1E00, s5  }
0x8: {  	s10 =	sadd.s32 $0xBE00, s5;
	s4 =	sadd.s32 $0x15E00, s5;
	s26 =	smul.u32 $0x4F000, s1  }
0x9: {  	s30 =	sshll.u32 s1, $0x6;
	_ =	strace $0x8000004A;
	s8 =	smul.u32 $0x13C000, s7  }
0xa: {  	s12 =	sshll.u32 s7, $0x4;
	s28 =	ssub.s32 $0x2, s7;
	s11 =	sshrl.u32 s6, $0x3  }
0xb: {  	s29 =	sor.u32 s1, s12;
	s7 =	sshrl.u32 s28, $0x1;
	s11 =	sadd.s32 s11, s5  }
0xc: {  	s6 =	sadd.s32 s6, s8;
	s8 =	sshrl.u32 s26, $0x2;
	s12 =	smul.u32 $0x2800, s29  }
0xd: {  	s14 =	ssub.s32 s28, s7;
	s26 =	simm.s32 $0x0;
	s6 =	sshrl.u32 s6, $0x3  }
0xe: {  	s15 =	sadd.s32 s8, s2;
	s13 =	sadd.s32 s6, s5;
	s5 =	sadd.s32 $0x3D600, s11  }
0xf: {  	s6 =	sor.u32 $0x1C05, s30;
	s31 =	sshrl.u32 s12, $0x3;
	s12 =	smax.u32 s14, $0x1  }
0x10: {  	s14 =	simm.s32 $0x5;
	s7 =	sadd.s32 s9, s31;
	s11 =	sadd.s32 $0x280, s31  }
0x11: {  	s8 =	sadd.s32 s10, s31;
	s9 =	sadd.s32 s9, s11;
	s10 =	sadd.s32 s10, s11  }
0x12: {  	s11 =	sadd.s32 $0x64E00, s13;
	s13 =	sshrl.u32 s15, $0x3;
	s15 =	simm.s32 $0x1400  }
.LBB2_1:
0x13: {  	[spmem:s13], [sflag:s6] =	dma.local [hbm:s5], $0x2780  }
0x14: {  	_ =	swait.ge [sflag:s14], $0x2780  }
0x15: {  	[sflag:s14] =	ssyncset.done $0x0  }
0x16: {  	[sflag:s14] =	ssyncadd.s32 $0xFFFFD880  }
0x17: {  	[bflag:$0x0] =	sbarrier.arrive $0xFFFF  }
0x18: {  	[tilespmem:s3], [sflag:$0x5] =	stream.linear.gather [hbm4b:s7+s3], $0x1400, $0x38;
	[tilespmem:$0x1E400] =	vst v63  }
0x19: {  	_ =	swait.ge [sflag:s14], $0x1400  }
0x1a: {  	[sflag:s14] =	ssyncset.done $0x0  }
0x1b: {  	[sflag:s14] =	ssyncadd.s32 $0xFFFFEC00  }
0x1c: {  	[tilespmem:s15], [sflag:$0x5] =	stream.linear.gather [hbm4b:s8+s3], $0x1400, $0x38;
	[tilespmem:$0x1E400] =	vst v63  }
0x1d: {  	_ =	swait.ge [sflag:s14], $0x1400  }
0x1e: {  	[sflag:s14] =	ssyncset.done $0x0  }
0x1f: {  	[sflag:s14] =	ssyncadd.s32 $0xFFFFEC00  }
0x20: {  	[tilespmem:s17], [sflag:$0x1] =	stream.indirect.gather [hbm4b:s4+s16], $0x80, s3, s16, $0xb8;
	[tilespmem:$0x1E400] =	vst v63  }
0x21: {  	_ =	swait.ge [sflag:s18], $0x4000  }
0x22: {  	[sflag:s18] =	ssyncset.done $0x0  }
0x23: {  	s28 =	simm.s32 $0x1400;
	[sflag:s18] =	ssyncadd.s32 $0xFFFFC000  }
0x24: {  	[spmem:s2] =	stream.indirect.scatter.add.f32 [tilespmem:s17], [sflag:$0x3], $0x80, s28, s16, $0xb8;
	[tilespmem:$0x1E400] =	vst v63  }
0x25: {  	s28 =	simm.s32 $0x80  }
0x26: {  	[tilespmem:s19], [sflag:$0x2] =	stream.indirect.gather [hbm4b:s4+s16], $0x80, s28, s16, $0xb8;
	[tilespmem:$0x1E400] =	vst v63  }
0x27: {  	_ =	swait.ge [sflag:s20], $0x4000  }
0x28: {  	[sflag:s20] =	ssyncset.done $0x0  }
0x29: {  	[sflag:s20] =	ssyncadd.s32 $0xFFFFC000  }
0x2a: {  	_ =	swait.ge [sflag:s21], $0x4000  }
0x2b: {  	[sflag:s21] =	ssyncset.done $0x0  }
0x2c: {  	s28 =	simm.s32 $0x1480;
	[sflag:s21] =	ssyncadd.s32 $0xFFFFC000  }
0x2d: {  	[spmem:s2] =	stream.indirect.scatter.add.f32 [tilespmem:s19], [sflag:$0x4], $0x80, s28, s16, $0xb8;
	[tilespmem:$0x1E400] =	vst v63  }
0x2e: {  	s28 =	simm.s32 $0x100  }
0x2f: {  	[tilespmem:s17], [sflag:$0x1] =	stream.indirect.gather [hbm4b:s4+s16], $0x80, s28, s16, $0xb8;
	[tilespmem:$0x1E400] =	vst v63  }
0x30: {  	_ =	swait.ge [sflag:s18], $0x4000  }
0x31: {  	[sflag:s18] =	ssyncset.done $0x0  }
0x32: {  	[sflag:s18] =	ssyncadd.s32 $0xFFFFC000  }
0x33: {  	_ =	swait.ge [sflag:s22], $0x4000  }
0x34: {  	s29 =	simm.s32 $0x800;
	s28 =	simm.s32 $0x100;
	[sflag:s22] =	ssyncset.done $0x0  }
.LBB2_2:
0x35: {  	s30 =	sadd.s32 $0x1400, s28  }
0x36: {  	[sflag:s22] =	ssyncadd.s32 $0xFFFFC000;
	s31 =	smov.u32 s29;
	s0 =	sadd.s32 $0x400, s29  }
0x37: {  	[spmem:s2] =	stream.indirect.scatter.add.f32 [tilespmem:s17], [sflag:$0x3], $0x80, s30, s16, $0xb8;
	[tilespmem:$0x1E400] =	vst v63  }
0x38: {  	p0 =	sne.s32 s29, $0x4800;
	s29 =	sadd.s32 $0x80, s28  }
0x39: {  	[tilespmem:s19], [sflag:$0x2] =	stream.indirect.gather [hbm4b:s4+s16], $0x80, s29, s16, $0xb8;
	[tilespmem:$0x1E400] =	vst v63  }
0x3a: {  	_ =	swait.ge [sflag:s20], $0x4000  }
0x3b: {  	[sflag:s20] =	ssyncset.done $0x0  }
0x3c: {  	[sflag:s20] =	ssyncadd.s32 $0xFFFFC000  }
0x3d: {  	_ =	swait.ge [sflag:s21], $0x4000  }
0x3e: {  	[sflag:s21] =	ssyncset.done $0x0  }
0x3f: {  	s29 =	sadd.s32 $0x1480, s28;
	[sflag:s21] =	ssyncadd.s32 $0xFFFFC000  }
0x40: {  	[spmem:s2] =	stream.indirect.scatter.add.f32 [tilespmem:s19], [sflag:$0x4], $0x80, s29, s16, $0xb8;
	[tilespmem:$0x1E400] =	vst v63  }
0x41: {  	s28 =	sadd.s32 $0x100, s28  }
0x42: {  	[tilespmem:s17], [sflag:$0x1] =	stream.indirect.gather [hbm4b:s4+s16], $0x80, s28, s16, $0xb8;
	[tilespmem:$0x1E400] =	vst v63  }
.Ltmp0:
0x43: {  	_ =	swait.ge [sflag:s18], $0x4000;
	(pc) =	sbr.rel @p0 .LBB2_2-.Ltmp0, $4  }
0x44: {  	[sflag:s18] =	ssyncset.done $0x0  }
0x45: {  	[sflag:s18] =	ssyncadd.s32 $0xFFFFC000  }
0x46: {  	_ =	swait.ge [sflag:s22], $0x4000  }
0x47: {  	s29 =	smov.u32 s0;
	s28 =	sshra.s32 s31, $0x2;
	[sflag:s22] =	ssyncset.done $0x0  }
0x48: {  	s0 =	sadd.s32 $0x1400, s28;
	[sflag:s22] =	ssyncadd.s32 $0xFFFFC000  }
0x49: {  	[spmem:s2] =	stream.indirect.scatter.add.f32 [tilespmem:s17], [sflag:$0x3], $0x80, s0, s16, $0xb8;
	[tilespmem:$0x1E400] =	vst v63  }
0x4a: {  	s30 =	sadd.s32 $0x80, s28  }
0x4b: {  	[tilespmem:s19], [sflag:$0x2] =	stream.indirect.gather [hbm4b:s4+s16], $0x80, s30, s16, $0xb8;
	[tilespmem:$0x1E400] =	vst v63  }
0x4c: {  	_ =	swait.ge [sflag:s20], $0x4000  }
0x4d: {  	[sflag:s20] =	ssyncset.done $0x0  }
0x4e: {  	[sflag:s20] =	ssyncadd.s32 $0xFFFFC000  }
0x4f: {  	_ =	swait.ge [sflag:s21], $0x4000  }
0x50: {  	[sflag:s21] =	ssyncset.done $0x0  }
0x51: {  	s31 =	sadd.s32 $0x1480, s28;
	[sflag:s21] =	ssyncadd.s32 $0xFFFFC000  }
0x52: {  	[spmem:s2] =	stream.indirect.scatter.add.f32 [tilespmem:s19], [sflag:$0x4], $0x80, s31, s16, $0xb8;
	[tilespmem:$0x1E400] =	vst v63  }
0x53: {  	s30 =	sadd.s32 $0x100, s28  }
0x54: {  	[tilespmem:s17], [sflag:$0x1] =	stream.indirect.gather [hbm4b:s4+s16], $0x80, s30, s16, $0xb8;
	[tilespmem:$0x1E400] =	vst v63  }
0x55: {  	_ =	swait.ge [sflag:s18], $0x4000  }
0x56: {  	[sflag:s18] =	ssyncset.done $0x0  }
0x57: {  	[sflag:s18] =	ssyncadd.s32 $0xFFFFC000  }
0x58: {  	_ =	swait.ge [sflag:s22], $0x4000  }
0x59: {  	[sflag:s22] =	ssyncset.done $0x0  }
0x5a: {  	[sflag:s22] =	ssyncadd.s32 $0xFFFFC000  }
0x5b: {  	[spmem:s2] =	stream.indirect.scatter.add.f32 [tilespmem:s17], [sflag:$0x3], $0x80, s23, s16, $0xb8;
	[tilespmem:$0x1E400] =	vst v63  }
0x5c: {  	_ = 	snop  }
0x5d: {  	[tilespmem:s19], [sflag:$0x2] =	stream.indirect.gather [hbm4b:s4+s16], $0x80, s24, s16, $0xb8;
	[tilespmem:$0x1E400] =	vst v63  }
0x5e: {  	_ =	swait.ge [sflag:s20], $0x4000  }
0x5f: {  	[sflag:s20] =	ssyncset.done $0x0  }
0x60: {  	[sflag:s20] =	ssyncadd.s32 $0xFFFFC000  }
0x61: {  	_ =	swait.ge [sflag:s21], $0x4000  }
0x62: {  	[sflag:s21] =	ssyncset.done $0x0  }
0x63: {  	[sflag:s21] =	ssyncadd.s32 $0xFFFFC000  }
0x64: {  	[spmem:s2] =	stream.indirect.scatter.add.f32 [tilespmem:s19], [sflag:$0x4], $0x80, s25, s16, $0xb8;
	[tilespmem:$0x1E400] =	vst v63  }
0x65: {  	s31 =	simm.s32 $0x0  }
0x66: {  	[tilespmem:s17], [sflag:$0x1] =	stream.indirect.gather [hbm4b:s4+s16], $0x80, s31, s16, $0xb8;
	[tilespmem:$0x1E400] =	vst v63  }
0x67: {  	_ =	swait.ge [sflag:s18], $0x4000  }
0x68: {  	[sflag:s18] =	ssyncset.done $0x0  }
0x69: {  	[sflag:s18] =	ssyncadd.s32 $0xFFFFC000  }
0x6a: {  	_ =	swait.ge [sflag:s22], $0x4000  }
0x6b: {  	[sflag:s22] =	ssyncset.done $0x0  }
0x6c: {  	[sflag:s22] =	ssyncadd.s32 $0xFFFFC000  }
0x6d: {  	[tilespmem:s31], [sflag:$0x5] =	stream.linear.gather [hbm4b:s9+s31], $0x1400, $0x38;
	[tilespmem:$0x1E400] =	vst v63  }
0x6e: {  	_ =	swait.ge [sflag:s14], $0x1400  }
0x6f: {  	[sflag:s14] =	ssyncset.done $0x0  }
0x70: {  	[sflag:s14] =	ssyncadd.s32 $0xFFFFEC00  }
0x71: {  	[tilespmem:s15], [sflag:$0x5] =	stream.linear.gather [hbm4b:s10+s31], $0x1400, $0x38;
	[tilespmem:$0x1E400] =	vst v63  }
0x72: {  	_ =	swait.ge [sflag:s14], $0x1400  }
0x73: {  	[sflag:s14] =	ssyncset.done $0x0  }
0x74: {  	[sflag:s14] =	ssyncadd.s32 $0xFFFFEC00  }
0x75: {  	[tilespmem:s17], [sflag:$0x1] =	stream.indirect.gather [hbm4b:s4+s16], $0x80, s31, s16, $0xb8;
	[tilespmem:$0x1E400] =	vst v63  }
0x76: {  	_ =	swait.ge [sflag:s18], $0x4000  }
0x77: {  	[sflag:s18] =	ssyncset.done $0x0  }
0x78: {  	s30 =	simm.s32 $0x1400;
	[sflag:s18] =	ssyncadd.s32 $0xFFFFC000  }
0x79: {  	[spmem:s2] =	stream.indirect.scatter.add.f32 [tilespmem:s17], [sflag:$0x3], $0x80, s30, s16, $0xb8;
	[tilespmem:$0x1E400] =	vst v63  }
0x7a: {  	s31 =	simm.s32 $0x80  }
0x7b: {  	[tilespmem:s19], [sflag:$0x2] =	stream.indirect.gather [hbm4b:s4+s16], $0x80, s31, s16, $0xb8;
	[tilespmem:$0x1E400] =	vst v63  }
0x7c: {  	_ =	swait.ge [sflag:s20], $0x4000  }
0x7d: {  	[sflag:s20] =	ssyncset.done $0x0  }
0x7e: {  	[sflag:s20] =	ssyncadd.s32 $0xFFFFC000  }
0x7f: {  	_ =	swait.ge [sflag:s21], $0x4000  }
0x80: {  	[sflag:s21] =	ssyncset.done $0x0  }
0x81: {  	s30 =	simm.s32 $0x1480;
	[sflag:s21] =	ssyncadd.s32 $0xFFFFC000  }
0x82: {  	[spmem:s2] =	stream.indirect.scatter.add.f32 [tilespmem:s19], [sflag:$0x4], $0x80, s30, s16, $0xb8;
	[tilespmem:$0x1E400] =	vst v63  }
0x83: {  	s31 =	simm.s32 $0x100  }
0x84: {  	[tilespmem:s17], [sflag:$0x1] =	stream.indirect.gather [hbm4b:s4+s16], $0x80, s31, s16, $0xb8;
	[tilespmem:$0x1E400] =	vst v63  }
0x85: {  	_ =	swait.ge [sflag:s18], $0x4000  }
0x86: {  	[sflag:s18] =	ssyncset.done $0x0  }
0x87: {  	[sflag:s18] =	ssyncadd.s32 $0xFFFFC000  }
0x88: {  	_ =	swait.ge [sflag:s22], $0x4000  }
0x89: {  	s29 =	simm.s32 $0x800;
	s28 =	simm.s32 $0x100;
	[sflag:s22] =	ssyncset.done $0x0  }
.LBB2_4:
0x8a: {  	s0 =	sadd.s32 $0x1400, s28  }
0x8b: {  	[sflag:s22] =	ssyncadd.s32 $0xFFFFC000;
	s30 =	smov.u32 s29;
	s31 =	sadd.s32 $0x400, s29  }
0x8c: {  	[spmem:s2] =	stream.indirect.scatter.add.f32 [tilespmem:s17], [sflag:$0x3], $0x80, s0, s16, $0xb8;
	[tilespmem:$0x1E400] =	vst v63  }
0x8d: {  	p0 =	sne.s32 s29, $0x4800;
	s0 =	sadd.s32 $0x80, s28  }
0x8e: {  	[tilespmem:s19], [sflag:$0x2] =	stream.indirect.gather [hbm4b:s4+s16], $0x80, s0, s16, $0xb8;
	[tilespmem:$0x1E400] =	vst v63  }
0x8f: {  	_ =	swait.ge [sflag:s20], $0x4000  }
0x90: {  	[sflag:s20] =	ssyncset.done $0x0  }
0x91: {  	[sflag:s20] =	ssyncadd.s32 $0xFFFFC000  }
0x92: {  	_ =	swait.ge [sflag:s21], $0x4000  }
0x93: {  	[sflag:s21] =	ssyncset.done $0x0  }
0x94: {  	s0 =	sadd.s32 $0x1480, s28;
	[sflag:s21] =	ssyncadd.s32 $0xFFFFC000  }
0x95: {  	[spmem:s2] =	stream.indirect.scatter.add.f32 [tilespmem:s19], [sflag:$0x4], $0x80, s0, s16, $0xb8;
	[tilespmem:$0x1E400] =	vst v63  }
0x96: {  	s0 =	sadd.s32 $0x100, s28  }
0x97: {  	[tilespmem:s17], [sflag:$0x1] =	stream.indirect.gather [hbm4b:s4+s16], $0x80, s0, s16, $0xb8;
	[tilespmem:$0x1E400] =	vst v63  }
.Ltmp1:
0x98: {  	_ =	swait.ge [sflag:s18], $0x4000;
	(pc) =	sbr.rel @p0 .LBB2_4-.Ltmp1, $4  }
0x99: {  	[sflag:s18] =	ssyncset.done $0x0  }
0x9a: {  	[sflag:s18] =	ssyncadd.s32 $0xFFFFC000  }
0x9b: {  	_ =	swait.ge [sflag:s22], $0x4000  }
0x9c: {  	s29 =	smov.u32 s31;
	s28 =	sshra.s32 s30, $0x2;
	[sflag:s22] =	ssyncset.done $0x0  }
0x9d: {  	s0 =	sadd.s32 $0x1400, s28;
	[sflag:s22] =	ssyncadd.s32 $0xFFFFC000  }
0x9e: {  	[spmem:s2] =	stream.indirect.scatter.add.f32 [tilespmem:s17], [sflag:$0x3], $0x80, s0, s16, $0xb8;
	[tilespmem:$0x1E400] =	vst v63  }
0x9f: {  	s29 =	sadd.s32 $0x80, s28  }
0xa0: {  	[tilespmem:s19], [sflag:$0x2] =	stream.indirect.gather [hbm4b:s4+s16], $0x80, s29, s16, $0xb8;
	[tilespmem:$0x1E400] =	vst v63  }
0xa1: {  	_ =	swait.ge [sflag:s20], $0x4000  }
0xa2: {  	[sflag:s20] =	ssyncset.done $0x0  }
0xa3: {  	[sflag:s20] =	ssyncadd.s32 $0xFFFFC000  }
0xa4: {  	_ =	swait.ge [sflag:s21], $0x4000  }
0xa5: {  	[sflag:s21] =	ssyncset.done $0x0  }
0xa6: {  	s30 =	sadd.s32 $0x1480, s28;
	[sflag:s21] =	ssyncadd.s32 $0xFFFFC000  }
0xa7: {  	[spmem:s2] =	stream.indirect.scatter.add.f32 [tilespmem:s19], [sflag:$0x4], $0x80, s30, s16, $0xb8;
	[tilespmem:$0x1E400] =	vst v63  }
0xa8: {  	s31 =	sadd.s32 $0x100, s28  }
0xa9: {  	[tilespmem:s17], [sflag:$0x1] =	stream.indirect.gather [hbm4b:s4+s16], $0x80, s31, s16, $0xb8;
	[tilespmem:$0x1E400] =	vst v63  }
0xaa: {  	_ =	swait.ge [sflag:s18], $0x4000  }
0xab: {  	[sflag:s18] =	ssyncset.done $0x0  }
0xac: {  	[sflag:s18] =	ssyncadd.s32 $0xFFFFC000  }
0xad: {  	_ =	swait.ge [sflag:s22], $0x4000  }
0xae: {  	[sflag:s22] =	ssyncset.done $0x0  }
0xaf: {  	[sflag:s22] =	ssyncadd.s32 $0xFFFFC000  }
0xb0: {  	[spmem:s2] =	stream.indirect.scatter.add.f32 [tilespmem:s17], [sflag:$0x3], $0x80, s23, s16, $0xb8;
	[tilespmem:$0x1E400] =	vst v63  }
0xb1: {  	_ = 	snop  }
0xb2: {  	[tilespmem:s19], [sflag:$0x2] =	stream.indirect.gather [hbm4b:s4+s16], $0x80, s24, s16, $0xb8;
	[tilespmem:$0x1E400] =	vst v63  }
0xb3: {  	_ =	swait.ge [sflag:s20], $0x4000  }
0xb4: {  	[sflag:s20] =	ssyncset.done $0x0  }
0xb5: {  	[sflag:s20] =	ssyncadd.s32 $0xFFFFC000  }
0xb6: {  	_ =	swait.ge [sflag:s21], $0x4000  }
0xb7: {  	[sflag:s21] =	ssyncset.done $0x0  }
0xb8: {  	[sflag:s21] =	ssyncadd.s32 $0xFFFFC000  }
0xb9: {  	[spmem:s2] =	stream.indirect.scatter.add.f32 [tilespmem:s19], [sflag:$0x4], $0x80, s25, s16, $0xb8;
	[tilespmem:$0x1E400] =	vst v63  }
0xba: {  	_ = 	snop  }
0xbb: {  	[tilespmem:s17], [sflag:$0x1] =	stream.indirect.gather [hbm4b:s4+s16], $0x80, s3, s16, $0xb8;
	[tilespmem:$0x1E400] =	vst v63  }
0xbc: {  	_ =	swait.ge [sflag:s18], $0x4000  }
0xbd: {  	[sflag:s18] =	ssyncset.done $0x0  }
0xbe: {  	[sflag:s18] =	ssyncadd.s32 $0xFFFFC000  }
0xbf: {  	_ =	swait.ge [sflag:s22], $0x4000  }
0xc0: {  	s26 =	sadd.s32 $0x1, s26;
	[sflag:s22] =	ssyncset.done $0x0  }
0xc1: {  	p0 =	sne.s32 s26, s12;
	[sflag:s22] =	ssyncadd.s32 $0xFFFFC000  }
.Ltmp2:
0xc2: {  	[bflag:$0x0] =	sbarrier.arrive $0xFFFF;
	(pc) =	sbr.rel @p0 .LBB2_1-.Ltmp2, $4  }
0xc3: {  	[hbm:s11], [sflag:s6] =	dma.local [spmem:s13], $0x2780  }
0xc4: {  	_ =	swait.ge [sflag:s14], $0x2780  }
0xc5: {  	[sflag:s14] =	ssyncset.done $0x0  }
0xc6: {  	[sflag:s14] =	ssyncadd.s32 $0xFFFFD880  }
0xc7: {  	_ =	sfence.sel $0x180000  }
0xc8: {  	[bflag:$0x0] =	sbarrier.arrive $0xFFFF  }
0xc9: {  	_ =	strace $0x9000004A  }
0xca: {  	[bflag:$0x2] =	sbarrier.arrive $0xFFFF  }
0xcb: {  	p0 =	sne.s32 s1, $0x0;
	s0 =	rddreg [dreg:$0x2]  }
0xcc: {  	s0 =	sadd.s32 @!p0 $0x100000, s0  }
0xcd: {  	[sflag:s0] =	ssyncadd.tile.s32 @!p0 $0x1;
	_ =	shalt  }
.Lfunc_end2:
_tile_overlayer_lowered:
.L_overlay_start_2:
0xce: {  	(tag) =	ssettag $0x2  }
0xcf: {  	s0 =	rddreg [dreg:$0x0];
	s2 =	stileid.u32  }
0xd0: {  	s1 =	rddreg [dreg:$0x1];
	p0 =	sne.s32 s2, $0x0  }
0xd1: {  	s3 =	rddreg [dreg:$0x2];
	[bflag:$0x3] =	sbarrier.arrive $0xFFFF;
	s2 =	simm.s32 @!p0 $0x1C05  }
0xd2: {  	[timem:s3], [sflag:s2] =	dma.local @!p0 [hbm:s0], s1  }
0xd3: {  	s0 =	simm.s32 @!p0 $0x5  }
0xd4: {  	_ =	swait.ge @!p0 [sflag:s0], s1  }
0xd5: {  	s1 =	ssub.s32 @!p0 $0x0, s1;
	[sflag:s0] =	ssyncset.done @!p0 $0x0  }
0xd6: {  	[sflag:s0] =	ssyncadd.s32 @!p0 s1  }
0xd7: {  	[bflag:$0x3] =	sbarrier.arrive $0xFFFF  }
0xd8: {  	_ =	shalt  }

// kernel: kernel.15.cloned.1.call-start
scs
__scs_entry_jumppad:
0x0: {  	(pc) =	sbr.rel $0x88, $3  }
0x1: {  	(tag) =	ssettag $0x0;
	lr =	simm.s32 $0x1  }
0x2: {  	[smem:$0x3F9B] =	sst lr;
	_ =	strace $0xD0000000  }
0x3: {  	_ = 	snop  }
0x4: {  	_ = 	snop  }
0x5: {  	_ = 	snop  }
0x6: {  	_ = 	snop  }
0x7: {  	_ = 	snop  }
__scs_overlays_trampoline_lowered:
0x8: {  	[smem:$0x3FAA] =	sst s0  }
0x9: {  	[smem:$0x3FAB] =	sst s1  }
0xa: {  	[smem:$0x3FAC] =	sst s2  }
0xb: {  	[smem:$0x3FAD] =	sst s3  }
0xc: {  	[smem:$0x3FAE] =	sst s4  }
0xd: {  	[smem:$0x3FAF] =	sst s5  }
0xe: {  	[smem:$0x3FB0] =	sst s6  }
0xf: {  	[smem:$0x3FB1] =	sst s7  }
0x10: {  	[smem:$0x3FB2] =	sst s8  }
0x11: {  	[smem:$0x3FB3] =	sst s9;
	s0 =	simm.s32 @!p0 $0x0  }
0x12: {  	s1 =	sld [smem:$0x3F99];
	s0 =	simm.s32 @p0 $0x1  }
0x13: {  	[smem:$0x3FB4] =	sst s0;
	s0 =	simm.s32 @!p1 $0x0  }
0x14: {  	s2 =	sld [smem:$0x3F98];
	s0 =	simm.s32 @p1 $0x1  }
0x15: {  	[smem:$0x3FB5] =	sst s0;
	s0 =	simm.s32 @!p2 $0x0  }
0x16: {  	s3 =	sld [smem:$0x3FDB];
	s0 =	simm.s32 @p2 $0x1  }
0x17: {  	s4 =	simm.s32 $0x1BF5;
	[smem:$0x3FB7] =	sst s0  }
0x18: {  	s0 =	sld [smem:$0x3F9A];
	_ =	swait.ge [sflag:s4], $0x0  }
0x19: {  	s7 =	sld [smem:$0x3F9B]  }
0x1a: {  	s8 =	sadd.s32 $0xFFFFE003, lr  }
0x1b: {  	s9 =	sadd.s32 $0xFFFFFEF7, lr;
	s5 =	simm.s32 $0xFFFFFFFF;
	p2 =	slt.u32 s8, $0xFFFFF086  }
0x1c: {  	p1 =	slt.u32 s9, $0xF7A;
	s5 =	simm.s32 @!p2 $0x0  }
0x1d: {  	s5 =	simm.s32 @p1 $0x1;
	p0 =	seq.s32 s7, s2  }
0x1e: {  	s7 =	smul.u32 @!p0 $0xF7A, s2;
	p2 =	seq.s32 @!p0 s5, $0x0  }
0x1f: {  	s9 =	smul.u32 $0xF7A, s1;
	s8 =	simm.s32 @!p0 $0x1BF5;
	p2 =	por !p2, p0  }
0x20: {  	[sflag:s8] =	ssyncset.s32 @!p0 $0xFFFFF086;
	s6 =	sadd.s32 @!p0 s3, s7;
	s7 =	simm.s32 @!p0 $0x108  }
0x21: {  	s3 =	sadd.s32 s3, s9;
	s6 =	sadd.s32 @!p0 $0x88, s6;
	s7 =	simm.s32 @p2 $0x1082  }
0x22: {  	[simem:s7], [sflag:s8] =	dma.local @!p0 [hbm:s6], $0xF7A  }
0x23: {  	s9 =	sor.u32 $0xD0000000, s2;
	s6 =	simm.s32 $0x108;
	_ =	swait.ge @!p0 [sflag:s8], $0x0  }
0x24: {  	s3 =	sadd.s32 $0x88, s3;
	s6 =	simm.s32 @!p1 $0x1082;
	[sflag:s4] =	ssyncset.s32 $0xFFFFF086  }
0x25: {  	[simem:s6], [sflag:s4] =	dma.local [hbm:s3], $0xF7A  }
0x26: {  	[smem:$0x3F9B] =	sst s1;
	(tag) =	ssettag s2;
	_ =	strace s9  }
0x27: {  	s1 =	sld [smem:$0x3FAB]  }
0x28: {  	s2 =	sld [smem:$0x3FAC]  }
0x29: {  	s4 =	sld [smem:$0x3FAE]  }
0x2a: {  	p0 =	seq.s32 s5, $0x0;
	s5 =	sld [smem:$0x3FAF]  }
0x2b: {  	s6 =	sld [smem:$0x3FB0]  }
0x2c: {  	s7 =	sld [smem:$0x3FB1]  }
0x2d: {  	s3 =	simm.s32 $0x108;
	s8 =	sld [smem:$0x3FB2]  }
0x2e: {  	s3 =	simm.s32 @!p0 $0x1082;
	s9 =	sld [smem:$0x3FB3]  }
0x2f: {  	lr =	sadd.s32 s0, s3;
	s0 =	sld [smem:$0x3FAA]  }
0x30: {  	s3 =	sld [smem:$0x3FAD]  }
0x31: {  	[smem:$0x3FB6] =	sst s10  }
0x32: {  	s10 =	sld [smem:$0x3FB4];
	_ =	sdelay $0x3  }
0x33: {  	p0 =	seq.s32 s10, $0x1;
	s10 =	sld [smem:$0x3FB6];
	_ =	sdelay $0x3  }
0x34: {  	[smem:$0x3FB6] =	sst s10  }
0x35: {  	s10 =	sld [smem:$0x3FB5];
	_ =	sdelay $0x3  }
0x36: {  	p1 =	seq.s32 s10, $0x1;
	s10 =	sld [smem:$0x3FB6];
	_ =	sdelay $0x3  }
0x37: {  	[smem:$0x3FB6] =	sst s10  }
0x38: {  	s10 =	sld [smem:$0x3FB7]  }
0x39: {  	_ = 	snop;
	(pc) =	sbr.ind lr, $3  }
0x3a: {  	_ = 	snop  }
0x3b: {  	_ = 	snop  }
0x3c: {  	p2 =	seq.s32 s10, $0x1;
	s10 =	sld [smem:$0x3FB6]  }
0x3d: {  	_ =	shalt  }
0x3e: {  	_ =	shalt  }
0x3f: {  	_ =	shalt  }
0x40: {  	_ =	shalt  }
0x41: {  	_ =	shalt  }
0x42: {  	_ =	shalt  }
0x43: {  	_ =	shalt  }
0x44: {  	_ =	shalt  }
0x45: {  	_ =	shalt  }
0x46: {  	_ =	shalt  }
0x47: {  	_ =	shalt  }
0x48: {  	_ =	shalt  }
0x49: {  	_ =	shalt  }
0x4a: {  	_ =	shalt  }
0x4b: {  	_ =	shalt  }
0x4c: {  	_ =	shalt  }
0x4d: {  	_ =	shalt  }
0x4e: {  	_ =	shalt  }
0x4f: {  	_ =	shalt  }
0x50: {  	_ =	shalt  }
0x51: {  	_ =	shalt  }
0x52: {  	_ =	shalt  }
0x53: {  	_ =	shalt  }
0x54: {  	_ =	shalt  }
0x55: {  	_ =	shalt  }
0x56: {  	_ =	shalt  }
0x57: {  	_ =	shalt  }
0x58: {  	_ =	shalt  }
0x59: {  	_ =	shalt  }
0x5a: {  	_ =	shalt  }
0x5b: {  	_ =	shalt  }
0x5c: {  	_ =	shalt  }
0x5d: {  	_ =	shalt  }
0x5e: {  	_ =	shalt  }
0x5f: {  	_ =	shalt  }
0x60: {  	_ =	shalt  }
0x61: {  	_ =	shalt  }
0x62: {  	_ =	shalt  }
0x63: {  	_ =	shalt  }
0x64: {  	_ =	shalt  }
0x65: {  	_ =	shalt  }
0x66: {  	_ =	shalt  }
0x67: {  	_ =	shalt  }
0x68: {  	_ =	shalt  }
0x69: {  	_ =	shalt  }
0x6a: {  	_ =	shalt  }
0x6b: {  	_ =	shalt  }
0x6c: {  	_ =	shalt  }
0x6d: {  	_ =	shalt  }
0x6e: {  	_ =	shalt  }
0x6f: {  	_ =	shalt  }
0x70: {  	_ =	shalt  }
0x71: {  	_ =	shalt  }
0x72: {  	_ =	shalt  }
0x73: {  	_ =	shalt  }
0x74: {  	_ =	shalt  }
0x75: {  	_ =	shalt  }
0x76: {  	_ =	shalt  }
0x77: {  	_ =	shalt  }
0x78: {  	_ =	shalt  }
0x79: {  	_ =	shalt  }
0x7a: {  	_ =	shalt  }
0x7b: {  	_ =	shalt  }
0x7c: {  	_ =	shalt  }
0x7d: {  	_ =	shalt  }
0x7e: {  	_ =	shalt  }
0x7f: {  	_ =	shalt  }
0x80: {  	_ =	shalt  }
0x81: {  	_ =	shalt  }
0x82: {  	_ =	shalt  }
0x83: {  	_ =	shalt  }
0x84: {  	_ =	shalt  }
0x85: {  	_ =	shalt  }
0x86: {  	_ =	shalt  }
0x87: {  	_ =	shalt  }
.Lfunc_end0:
.L_simem_size_0:
called_computation.2_lowered:
.L_overlay_start_0:
0x88: {  	s2 =	sld [smem:$0x3FD9]  }
0x89: {  	s3 =	sld [smem:$0x3FFE];
	_ =	sdelay $0x1  }
0x8a: {  	s1 =	srdreg.scid  }
0x8b: {  	s0 =	sand.u32 $0x1, s1  }
0x8c: {  	s17 =	sshll.u32 s0, $0xA;
	s2 =	sadd.s32 s3, s2  }
0x8d: {  	s2 =	sadd.s32 s2, s17  }
0x8e: {  	[smem:$0x3FC2] =	sst s2  }
0x8f: {  	_ = 	snop  }
0x90: {  	s2 =	sld [smem:$0x3FD0];
	(tm) =	ssettm $0x1  }
0x91: {  	s18 =	sld [smem:$0x3FFB];
	_ =	sdelay $0x3  }
0x92: {  	_ =	strace s18  }
0x93: {  	s3 =	sld [smem:$0x3FFC];
	_ =	sdelay $0x3  }
0x94: {  	_ =	strace s3  }
0x95: {  	s3 =	sld [smem:$0x3FFD];
	_ =	sdelay $0x3  }
0x96: {  	_ =	strace s3  }
0x97: {  	_ =	strace $0x8FFFFFFF  }
0x98: {  	s19 =	sld [smem:$0x3FDB];
	_ =	sdelay $0x1  }
0x99: {  	s4 =	simm.s32 $_scs_section_size  }
0x9a: {  	s5 =	simm.s32 $_size__tile_overlayer_lowered;
	s6 =	simm.s32 $_tile_overlayer_lowered  }
0x9b: {  	s22 =	simm.s32 $0x1BFF;
	s21 =	sshll.u32 s6, $0x1;
	s3 =	sadd.s32 s4, s19  }
0x9c: {  	s7 =	simm.s32 $0x0;
	s20 =	sshll.u32 s5, $0x1;
	s5 =	sadd.s32 s21, s3  }
0x9d: {  	[timem:s7], [sflag:s22] =	dma.local [hbm:s5], s20  }
0x9e: {  	_ =	swait.ge [sflag:s22], s20  }
0x9f: {  	s4 =	ssub.s32 $0x0, s20;
	[sflag:s22] =	ssyncset.done $0x0  }
0xa0: {  	[sflag:s22] =	ssyncadd.s32 s4;
	_ =	sdelay $0x1  }
0xa1: {  	s23 =	simm.s32 $0x1B8B  }
0xa2: {  	_ =	swait.ge [sflag:s23], $0x1  }
0xa3: {  	[sflag:s23] =	ssyncset.done $0x0  }
0xa4: {  	s25 =	simm.s32 $0x1B8E;
	s24 =	sld [smem:$0x3FFE];
	[sflag:s23] =	ssyncadd.s32 $0xFFFFFFFF  }
0xa5: {  	s26 =	simm.s32 $execute0_lowered;
	[smem:$0x3FD2] =	sst s25  }
0xa6: {  	s5 =	sshll.u32 s26, $0x1;
	_ =	strace $0x8000004C;
	[dreg:$0x1] =	wrdreg $0xFFFFFFFF  }
0xa7: {  	s28 =	simm.s32 $_size_execute0_lowered;
	s3 =	sadd.s32 s3, s5;
	[dreg:$0x0] =	wrdreg $0x0  }
0xa8: {  	s5 =	sshll.u32 s28, $0x1;
	[dreg:$0x2] =	wrdreg s3  }
0xa9: {  	[dreg:$0x3] =	wrdreg s5  }
0xaa: {  	[dreg:$0x4] =	wrdreg $0xC0  }
0xab: {  	_ =	task [dreg:s7], $0x5FFFF  }
0xac: {  	[dreg:$0x1] =	wrdreg $0xFFFFFFFF  }
0xad: {  	[dreg:$0x0] =	wrdreg $0x60  }
0xae: {  	[dreg:$0x2] =	wrdreg s24  }
0xaf: {  	[dreg:$0x3] =	wrdreg s2  }
0xb0: {  	[dreg:$0x4] =	wrdreg $0x150000  }
0xb1: {  	[dreg:$0x5] =	wrdreg $0x9  }
0xb2: {  	_ =	task.clear_ibuf [dreg:s7], $0x6FFFF;
	_ =	strace $0x9000004C  }
0xb3: {  	s29 =	simm.s32 $0x9;
	_ =	strace $0x8000004E  }
0xb4: {  	_ =	swait.ge [sflag:s29], $0x1  }
0xb5: {  	[sflag:s29] =	ssyncadd.s32 $0xFFFFFFFF  }
0xb6: {  	_ =	strace $0x9000004E  }
0xb7: {  	_ =	sfence  }
0xb8: {  	s30 =	sld [smem:$0x0];
	_ =	sdelay $0x2  }
0xb9: {  	s31 =	sshll.u32 s1, $0xD;
	s1 =	sshrl.u32 s1, $0x2  }
0xba: {  	s3 =	sand.u32 $0x4000, s31;
	s1 =	sadd.s32 s1, s30  }
0xbb: {  	s0 =	sor.u32 s3, s0;
	s1 =	sshll.u32 s1, $0x11  }
0xbc: {  	s0 =	sor.u32 s1, s0  }
0xbd: {  	s0 =	sadd.s32 $0x8F2B, s0  }
0xbe: {  	[sflag:s0] =	ssyncadd.remote.s32 $0x1  }
0xbf: {  	_ =	sfence.sel $0xFFFF  }
0xc0: {  	[dreg:$0x0] =	wrdreg $0xFFFFFFFF;
	(pc) =	sbr.abs _section_cstart, $3  }
0xc1: {  	[dreg:$0x1] =	wrdreg $0xFFFFFFFF  }
0xc2: {  	_ =	task.clear_ibuf [dreg:s7], $0x2FFFF;
	_ =	strace $0x9FFFFFFF  }
0xc3: {  	(tm) =	ssettm $0x7FFFFFFF  }
tec
execute0_lowered:
.L_overlay_start_1:
0x0: {  	(tag) =	ssettag $0x1  }
0x1: {  	s5 =	rddreg [dreg:$0x0]  }
0x2: {  	s0 =	srdreg.scid;
	s2 =	rddreg [dreg:$0x1]  }
0x3: {  	s11 =	stileid.u32;
	s3 =	rddreg [dreg:$0x2];
	s4 =	simm.s32 $0x0  }
0x4: {  	s10 =	simm.s32 $0x5;
	s14 =	simm.s32 $0x200;
	s15 =	simm.s32 $0x5000  }
0x5: {  	s16 =	simm.s32 $0x1;
	s17 =	simm.s32 $0x80;
	s18 =	simm.s32 $0x7000  }
0x6: {  	s19 =	simm.s32 $0x9000;
	s20 =	simm.s32 $0xB000;
	s21 =	simm.s32 $0xD000  }
0x7: {  	s22 =	simm.s32 $0x2;
	s23 =	simm.s32 $0x3;
	s24 =	simm.s32 $0xF000  }
0x8: {  	s25 =	simm.s32 $0x11000;
	s26 =	simm.s32 $0x13000;
	s28 =	simm.s32 $0x4  }
0x9: {  	s0 =	sand.u32 $0x1, s0;
	s7 =	smul.u32 $0x9E00, s11;
	[smem:$0x7FF] =	sst s4  }
0xa: {  	s31 =	sshll.u32 s11, $0x6;
	s1 =	sshll.u32 s0, $0x4;
	s6 =	smul.u32 $0x9E000, s0  }
0xb: {  	_ =	strace $0x8000004D;
	s0 =	ssub.s32 $0x2, s0;
	s12 =	sor.u32 $0x1C05, s31  }
0xc: {  	s1 =	sor.u32 s11, s1;
	s8 =	sshrl.u32 s7, $0x3;
	s29 =	sshrl.u32 s0, $0x1  }
0xd: {  	s30 =	sadd.s32 s7, s3;
	s1 =	smul.u32 $0x500, s1;
	s6 =	sadd.s32 s7, s6  }
0xe: {  	s8 =	sadd.s32 s8, s5;
	s0 =	ssub.s32 s0, s29;
	s13 =	sshrl.u32 s30, $0x3  }
0xf: {  	s6 =	sshrl.u32 s6, $0x3;
	s7 =	sadd.s32 $0x15E00, s8;
	s1 =	sadd.s32 s1, s5  }
0x10: {  	s9 =	sadd.s32 s6, s5;
	s5 =	sadd.s32 $0x1E00, s1;
	s6 =	sadd.s32 $0xBE00, s1  }
0x11: {  	s8 =	sadd.s32 $0x29A00, s9;
	s9 =	smax.u32 s0, $0x1;
	s1 =	simm.s32 $0x0  }
.LBB2_1:
0x12: {  	[tilespmem:s4], [sflag:$0x5] =	stream.linear.gather [hbm4b:s5+s4], $0x2800, $0x38;
	[tilespmem:$0x1EE00] =	vst v63  }
0x13: {  	_ =	swait.ge [sflag:s10], $0x2800  }
0x14: {  	[sflag:s10] =	ssyncset.done $0x0  }
0x15: {  	s0 =	simm.s32 $0x2800;
	[sflag:s10] =	ssyncadd.s32 $0xFFFFD800  }
0x16: {  	[tilespmem:s0], [sflag:$0x5] =	stream.linear.gather [hbm4b:s6+s4], $0x2800, $0x38;
	[tilespmem:$0x1EE00] =	vst v63  }
0x17: {  	_ =	swait.ge [sflag:s10], $0x2800  }
0x18: {  	[sflag:s10] =	ssyncset.done $0x0  }
0x19: {  	[sflag:s10] =	ssyncadd.s32 $0xFFFFD800  }
0x1a: {  	[spmem:s13], [sflag:s12] =	dma.local [hbm:s7], $0x13C0  }
0x1b: {  	_ =	swait.ge [sflag:s10], $0x13C0  }
0x1c: {  	[sflag:s10] =	ssyncset.done $0x0  }
0x1d: {  	[sflag:s10] =	ssyncadd.s32 $0xFFFFEC40  }
0x1e: {  	[bflag:$0x0] =	sbarrier.arrive $0xFFFF  }
0x1f: {  	[tilespmem:s15], [sflag:$0x1] =	stream.indirect.gather [hbm4b:s2+s14], $0x40, s4, s14, $0xb8;
	[tilespmem:$0x1EE00] =	vst v63  }
0x20: {  	_ =	swait.ge [sflag:s16], $0x8000  }
0x21: {  	[sflag:s16] =	ssyncset.done $0x0  }
0x22: {  	s30 =	simm.s32 $0x2800;
	[sflag:s16] =	ssyncadd.s32 $0xFFFF8000  }
0x23: {  	[spmem:s3] =	stream.indirect.scatter.add.f32 [tilespmem:s15], [sflag:$0x3], $0x40, s30, s17, $0xb8;
	[tilespmem:$0x1EE00] =	vst v63  }
0x24: {  	s31 =	simm.s32 $0x2880  }
0x25: {  	[spmem:s3] =	stream.indirect.scatter.add.f32 [tilespmem:s18], [sflag:$0x3], $0x40, s31, s17, $0xb8;
	[tilespmem:$0x1EE00] =	vst v63  }
0x26: {  	s11 =	simm.s32 $0x2900  }
0x27: {  	[spmem:s3] =	stream.indirect.scatter.add.f32 [tilespmem:s19], [sflag:$0x3], $0x40, s11, s17, $0xb8;
	[tilespmem:$0x1EE00] =	vst v63  }
0x28: {  	s29 =	simm.s32 $0x2980  }
0x29: {  	[spmem:s3] =	stream.indirect.scatter.add.f32 [tilespmem:s20], [sflag:$0x3], $0x40, s29, s17, $0xb8;
	[tilespmem:$0x1EE00] =	vst v63  }
0x2a: {  	s30 =	simm.s32 $0x200  }
0x2b: {  	[tilespmem:s21], [sflag:$0x2] =	stream.indirect.gather [hbm4b:s2+s14], $0x40, s30, s14, $0xb8;
	[tilespmem:$0x1EE00] =	vst v63  }
0x2c: {  	_ =	swait.ge [sflag:s22], $0x8000  }
0x2d: {  	[sflag:s22] =	ssyncset.done $0x0  }
0x2e: {  	[sflag:s22] =	ssyncadd.s32 $0xFFFF8000  }
0x2f: {  	_ =	swait.ge [sflag:s23], $0x2000  }
0x30: {  	[sflag:s23] =	ssyncset.done $0x0  }
0x31: {  	[sflag:s23] =	ssyncadd.s32 $0xFFFFE000  }
0x32: {  	_ =	swait.ge [sflag:s23], $0x2000  }
0x33: {  	[sflag:s23] =	ssyncset.done $0x0  }
0x34: {  	[sflag:s23] =	ssyncadd.s32 $0xFFFFE000  }
0x35: {  	_ =	swait.ge [sflag:s23], $0x2000  }
0x36: {  	[sflag:s23] =	ssyncset.done $0x0  }
0x37: {  	[sflag:s23] =	ssyncadd.s32 $0xFFFFE000  }
0x38: {  	_ =	swait.ge [sflag:s23], $0x2000  }
0x39: {  	[sflag:s23] =	ssyncset.done $0x0  }
0x3a: {  	s31 =	simm.s32 $0x2A00;
	[sflag:s23] =	ssyncadd.s32 $0xFFFFE000  }
0x3b: {  	[spmem:s3] =	stream.indirect.scatter.add.f32 [tilespmem:s21], [sflag:$0x4], $0x40, s31, s17, $0xb8;
	[tilespmem:$0x1EE00] =	vst v63  }
0x3c: {  	s11 =	simm.s32 $0x2A80  }
0x3d: {  	[spmem:s3] =	stream.indirect.scatter.add.f32 [tilespmem:s24], [sflag:$0x4], $0x40, s11, s17, $0xb8;
	[tilespmem:$0x1EE00] =	vst v63  }
0x3e: {  	s29 =	simm.s32 $0x2B00  }
0x3f: {  	[spmem:s3] =	stream.indirect.scatter.add.f32 [tilespmem:s25], [sflag:$0x4], $0x40, s29, s17, $0xb8;
	[tilespmem:$0x1EE00] =	vst v63  }
0x40: {  	s30 =	simm.s32 $0x2B80  }
0x41: {  	[spmem:s3] =	stream.indirect.scatter.add.f32 [tilespmem:s26], [sflag:$0x4], $0x40, s30, s17, $0xb8;
	[tilespmem:$0x1EE00] =	vst v63  }
0x42: {  	s31 =	simm.s32 $0x400  }
0x43: {  	[tilespmem:s15], [sflag:$0x1] =	stream.indirect.gather [hbm4b:s2+s14], $0x40, s31, s14, $0xb8;
	[tilespmem:$0x1EE00] =	vst v63  }
0x44: {  	_ =	swait.ge [sflag:s16], $0x8000  }
0x45: {  	[sflag:s16] =	ssyncset.done $0x0  }
0x46: {  	[sflag:s16] =	ssyncadd.s32 $0xFFFF8000  }
0x47: {  	_ =	swait.ge [sflag:s28], $0x2000  }
0x48: {  	[sflag:s28] =	ssyncset.done $0x0  }
0x49: {  	[sflag:s28] =	ssyncadd.s32 $0xFFFFE000  }
0x4a: {  	_ =	swait.ge [sflag:s28], $0x2000  }
0x4b: {  	[sflag:s28] =	ssyncset.done $0x0  }
0x4c: {  	[sflag:s28] =	ssyncadd.s32 $0xFFFFE000  }
0x4d: {  	_ =	swait.ge [sflag:s28], $0x2000  }
0x4e: {  	[sflag:s28] =	ssyncset.done $0x0  }
0x4f: {  	[sflag:s28] =	ssyncadd.s32 $0xFFFFE000  }
0x50: {  	_ =	swait.ge [sflag:s28], $0x2000  }
0x51: {  	s0 =	simm.s32 $0x400;
	s11 =	simm.s32 $0x2000;
	[sflag:s28] =	ssyncset.done $0x0  }
.LBB2_2:
0x52: {  	s31 =	sadd.s32 $0x2800, s0  }
0x53: {  	[sflag:s28] =	ssyncadd.s32 $0xFFFFE000;
	s29 =	smov.u32 s11;
	s30 =	sadd.s32 $0x1000, s11  }
0x54: {  	[spmem:s3] =	stream.indirect.scatter.add.f32 [tilespmem:s15], [sflag:$0x3], $0x40, s31, s17, $0xb8;
	[tilespmem:$0x1EE00] =	vst v63  }
0x55: {  	p0 =	sne.s32 s11, $0x8000;
	s11 =	sadd.s32 $0x2880, s0  }
0x56: {  	[spmem:s3] =	stream.indirect.scatter.add.f32 [tilespmem:s18], [sflag:$0x3], $0x40, s11, s17, $0xb8;
	[tilespmem:$0x1EE00] =	vst v63  }
0x57: {  	s11 =	sadd.s32 $0x2900, s0  }
0x58: {  	[spmem:s3] =	stream.indirect.scatter.add.f32 [tilespmem:s19], [sflag:$0x3], $0x40, s11, s17, $0xb8;
	[tilespmem:$0x1EE00] =	vst v63  }
0x59: {  	s11 =	sadd.s32 $0x2980, s0  }
0x5a: {  	[spmem:s3] =	stream.indirect.scatter.add.f32 [tilespmem:s20], [sflag:$0x3], $0x40, s11, s17, $0xb8;
	[tilespmem:$0x1EE00] =	vst v63  }
0x5b: {  	s11 =	sadd.s32 $0x200, s0  }
0x5c: {  	[tilespmem:s21], [sflag:$0x2] =	stream.indirect.gather [hbm4b:s2+s14], $0x40, s11, s14, $0xb8;
	[tilespmem:$0x1EE00] =	vst v63  }
0x5d: {  	_ =	swait.ge [sflag:s22], $0x8000  }
0x5e: {  	[sflag:s22] =	ssyncset.done $0x0  }
0x5f: {  	[sflag:s22] =	ssyncadd.s32 $0xFFFF8000  }
0x60: {  	_ =	swait.ge [sflag:s23], $0x2000  }
0x61: {  	[sflag:s23] =	ssyncset.done $0x0  }
0x62: {  	[sflag:s23] =	ssyncadd.s32 $0xFFFFE000  }
0x63: {  	_ =	swait.ge [sflag:s23], $0x2000  }
0x64: {  	[sflag:s23] =	ssyncset.done $0x0  }
0x65: {  	[sflag:s23] =	ssyncadd.s32 $0xFFFFE000  }
0x66: {  	_ =	swait.ge [sflag:s23], $0x2000  }
0x67: {  	[sflag:s23] =	ssyncset.done $0x0  }
0x68: {  	[sflag:s23] =	ssyncadd.s32 $0xFFFFE000  }
0x69: {  	_ =	swait.ge [sflag:s23], $0x2000  }
0x6a: {  	[sflag:s23] =	ssyncset.done $0x0  }
0x6b: {  	s11 =	sadd.s32 $0x2A00, s0;
	[sflag:s23] =	ssyncadd.s32 $0xFFFFE000  }
0x6c: {  	[spmem:s3] =	stream.indirect.scatter.add.f32 [tilespmem:s21], [sflag:$0x4], $0x40, s11, s17, $0xb8;
	[tilespmem:$0x1EE00] =	vst v63  }
0x6d: {  	s11 =	sadd.s32 $0x2A80, s0  }
0x6e: {  	[spmem:s3] =	stream.indirect.scatter.add.f32 [tilespmem:s24], [sflag:$0x4], $0x40, s11, s17, $0xb8;
	[tilespmem:$0x1EE00] =	vst v63  }
0x6f: {  	s11 =	sadd.s32 $0x2B00, s0  }
0x70: {  	[spmem:s3] =	stream.indirect.scatter.add.f32 [tilespmem:s25], [sflag:$0x4], $0x40, s11, s17, $0xb8;
	[tilespmem:$0x1EE00] =	vst v63  }
0x71: {  	s11 =	sadd.s32 $0x2B80, s0  }
0x72: {  	[spmem:s3] =	stream.indirect.scatter.add.f32 [tilespmem:s26], [sflag:$0x4], $0x40, s11, s17, $0xb8;
	[tilespmem:$0x1EE00] =	vst v63  }
0x73: {  	s0 =	sadd.s32 $0x400, s0  }
0x74: {  	[tilespmem:s15], [sflag:$0x1] =	stream.indirect.gather [hbm4b:s2+s14], $0x40, s0, s14, $0xb8;
	[tilespmem:$0x1EE00] =	vst v63  }
0x75: {  	_ =	swait.ge [sflag:s16], $0x8000  }
0x76: {  	[sflag:s16] =	ssyncset.done $0x0  }
0x77: {  	[sflag:s16] =	ssyncadd.s32 $0xFFFF8000  }
0x78: {  	_ =	swait.ge [sflag:s28], $0x2000  }
0x79: {  	[sflag:s28] =	ssyncset.done $0x0  }
0x7a: {  	[sflag:s28] =	ssyncadd.s32 $0xFFFFE000  }
0x7b: {  	_ =	swait.ge [sflag:s28], $0x2000  }
0x7c: {  	[sflag:s28] =	ssyncset.done $0x0  }
0x7d: {  	[sflag:s28] =	ssyncadd.s32 $0xFFFFE000  }
.Ltmp0:
0x7e: {  	_ =	swait.ge [sflag:s28], $0x2000;
	(pc) =	sbr.rel @p0 .LBB2_2-.Ltmp0, $4  }
0x7f: {  	[sflag:s28] =	ssyncset.done $0x0  }
0x80: {  	[sflag:s28] =	ssyncadd.s32 $0xFFFFE000  }
0x81: {  	_ =	swait.ge [sflag:s28], $0x2000  }
0x82: {  	s11 =	smov.u32 s30;
	s0 =	sshra.s32 s29, $0x2;
	[sflag:s28] =	ssyncset.done $0x0  }
0x83: {  	s11 =	sadd.s32 $0x2800, s0;
	[sflag:s28] =	ssyncadd.s32 $0xFFFFE000  }
0x84: {  	[spmem:s3] =	stream.indirect.scatter.add.f32 [tilespmem:s15], [sflag:$0x3], $0x40, s11, s17, $0xb8;
	[tilespmem:$0x1EE00] =	vst v63  }
0x85: {  	s31 =	sadd.s32 $0x2880, s0  }
0x86: {  	[spmem:s3] =	stream.indirect.scatter.add.f32 [tilespmem:s18], [sflag:$0x3], $0x40, s31, s17, $0xb8;
	[tilespmem:$0x1EE00] =	vst v63  }
0x87: {  	s29 =	sadd.s32 $0x2900, s0  }
0x88: {  	[spmem:s3] =	stream.indirect.scatter.add.f32 [tilespmem:s19], [sflag:$0x3], $0x40, s29, s17, $0xb8;
	[tilespmem:$0x1EE00] =	vst v63  }
0x89: {  	s30 =	sadd.s32 $0x2980, s0  }
0x8a: {  	[spmem:s3] =	stream.indirect.scatter.add.f32 [tilespmem:s20], [sflag:$0x3], $0x40, s30, s17, $0xb8;
	[tilespmem:$0x1EE00] =	vst v63  }
0x8b: {  	s31 =	sadd.s32 $0x200, s0  }
0x8c: {  	[tilespmem:s21], [sflag:$0x2] =	stream.indirect.gather [hbm4b:s2+s14], $0x40, s31, s14, $0xb8;
	[tilespmem:$0x1EE00] =	vst v63  }
0x8d: {  	_ =	swait.ge [sflag:s22], $0x8000  }
0x8e: {  	[sflag:s22] =	ssyncset.done $0x0  }
0x8f: {  	[sflag:s22] =	ssyncadd.s32 $0xFFFF8000  }
0x90: {  	_ =	swait.ge [sflag:s23], $0x2000  }
0x91: {  	[sflag:s23] =	ssyncset.done $0x0  }
0x92: {  	[sflag:s23] =	ssyncadd.s32 $0xFFFFE000  }
0x93: {  	_ =	swait.ge [sflag:s23], $0x2000  }
0x94: {  	[sflag:s23] =	ssyncset.done $0x0  }
0x95: {  	[sflag:s23] =	ssyncadd.s32 $0xFFFFE000  }
0x96: {  	_ =	swait.ge [sflag:s23], $0x2000  }
0x97: {  	[sflag:s23] =	ssyncset.done $0x0  }
0x98: {  	[sflag:s23] =	ssyncadd.s32 $0xFFFFE000  }
0x99: {  	_ =	swait.ge [sflag:s23], $0x2000  }
0x9a: {  	[sflag:s23] =	ssyncset.done $0x0  }
0x9b: {  	s29 =	sadd.s32 $0x2A00, s0;
	[sflag:s23] =	ssyncadd.s32 $0xFFFFE000  }
0x9c: {  	[spmem:s3] =	stream.indirect.scatter.add.f32 [tilespmem:s21], [sflag:$0x4], $0x40, s29, s17, $0xb8;
	[tilespmem:$0x1EE00] =	vst v63  }
0x9d: {  	s30 =	sadd.s32 $0x2A80, s0  }
0x9e: {  	[spmem:s3] =	stream.indirect.scatter.add.f32 [tilespmem:s24], [sflag:$0x4], $0x40, s30, s17, $0xb8;
	[tilespmem:$0x1EE00] =	vst v63  }
0x9f: {  	s31 =	sadd.s32 $0x2B00, s0  }
0xa0: {  	[spmem:s3] =	stream.indirect.scatter.add.f32 [tilespmem:s25], [sflag:$0x4], $0x40, s31, s17, $0xb8;
	[tilespmem:$0x1EE00] =	vst v63  }
0xa1: {  	s29 =	sadd.s32 $0x2B80, s0  }
0xa2: {  	[spmem:s3] =	stream.indirect.scatter.add.f32 [tilespmem:s26], [sflag:$0x4], $0x40, s29, s17, $0xb8;
	[tilespmem:$0x1EE00] =	vst v63  }
0xa3: {  	s30 =	sadd.s32 $0x400, s0  }
0xa4: {  	[tilespmem:s15], [sflag:$0x1] =	stream.indirect.gather [hbm4b:s2+s14], $0x40, s30, s14, $0xb8;
	[tilespmem:$0x1EE00] =	vst v63  }
0xa5: {  	_ =	swait.ge [sflag:s16], $0x8000  }
0xa6: {  	[sflag:s16] =	ssyncset.done $0x0  }
0xa7: {  	[sflag:s16] =	ssyncadd.s32 $0xFFFF8000  }
0xa8: {  	_ =	swait.ge [sflag:s28], $0x2000  }
0xa9: {  	[sflag:s28] =	ssyncset.done $0x0  }
0xaa: {  	[sflag:s28] =	ssyncadd.s32 $0xFFFFE000  }
0xab: {  	_ =	swait.ge [sflag:s28], $0x2000  }
0xac: {  	[sflag:s28] =	ssyncset.done $0x0  }
0xad: {  	[sflag:s28] =	ssyncadd.s32 $0xFFFFE000  }
0xae: {  	_ =	swait.ge [sflag:s28], $0x2000  }
0xaf: {  	[sflag:s28] =	ssyncset.done $0x0  }
0xb0: {  	[sflag:s28] =	ssyncadd.s32 $0xFFFFE000  }
0xb1: {  	_ =	swait.ge [sflag:s28], $0x2000  }
0xb2: {  	[sflag:s28] =	ssyncset.done $0x0  }
0xb3: {  	s31 =	simm.s32 $0x4C00;
	[sflag:s28] =	ssyncadd.s32 $0xFFFFE000  }
0xb4: {  	[spmem:s3] =	stream.indirect.scatter.add.f32 [tilespmem:s15], [sflag:$0x3], $0x40, s31, s17, $0xb8;
	[tilespmem:$0x1EE00] =	vst v63  }
0xb5: {  	s11 =	simm.s32 $0x4C80  }
0xb6: {  	[spmem:s3] =	stream.indirect.scatter.add.f32 [tilespmem:s18], [sflag:$0x3], $0x40, s11, s17, $0xb8;
	[tilespmem:$0x1EE00] =	vst v63  }
0xb7: {  	s29 =	simm.s32 $0x4D00  }
0xb8: {  	[spmem:s3] =	stream.indirect.scatter.add.f32 [tilespmem:s19], [sflag:$0x3], $0x40, s29, s17, $0xb8;
	[tilespmem:$0x1EE00] =	vst v63  }
0xb9: {  	s30 =	simm.s32 $0x4D80  }
0xba: {  	[spmem:s3] =	stream.indirect.scatter.add.f32 [tilespmem:s20], [sflag:$0x3], $0x40, s30, s17, $0xb8;
	[tilespmem:$0x1EE00] =	vst v63  }
0xbb: {  	s31 =	simm.s32 $0x2600  }
0xbc: {  	[tilespmem:s21], [sflag:$0x2] =	stream.indirect.gather [hbm4b:s2+s14], $0x40, s31, s14, $0xb8;
	[tilespmem:$0x1EE00] =	vst v63  }
0xbd: {  	_ =	swait.ge [sflag:s22], $0x8000  }
0xbe: {  	[sflag:s22] =	ssyncset.done $0x0  }
0xbf: {  	[sflag:s22] =	ssyncadd.s32 $0xFFFF8000  }
0xc0: {  	_ =	swait.ge [sflag:s23], $0x2000  }
0xc1: {  	[sflag:s23] =	ssyncset.done $0x0  }
0xc2: {  	[sflag:s23] =	ssyncadd.s32 $0xFFFFE000  }
0xc3: {  	_ =	swait.ge [sflag:s23], $0x2000  }
0xc4: {  	[sflag:s23] =	ssyncset.done $0x0  }
0xc5: {  	[sflag:s23] =	ssyncadd.s32 $0xFFFFE000  }
0xc6: {  	_ =	swait.ge [sflag:s23], $0x2000  }
0xc7: {  	[sflag:s23] =	ssyncset.done $0x0  }
0xc8: {  	[sflag:s23] =	ssyncadd.s32 $0xFFFFE000  }
0xc9: {  	_ =	swait.ge [sflag:s23], $0x2000  }
0xca: {  	[sflag:s23] =	ssyncset.done $0x0  }
0xcb: {  	s11 =	simm.s32 $0x4E00;
	[sflag:s23] =	ssyncadd.s32 $0xFFFFE000  }
0xcc: {  	[spmem:s3] =	stream.indirect.scatter.add.f32 [tilespmem:s21], [sflag:$0x4], $0x40, s11, s17, $0xb8;
	[tilespmem:$0x1EE00] =	vst v63  }
0xcd: {  	s29 =	simm.s32 $0x4E80  }
0xce: {  	[spmem:s3] =	stream.indirect.scatter.add.f32 [tilespmem:s24], [sflag:$0x4], $0x40, s29, s17, $0xb8;
	[tilespmem:$0x1EE00] =	vst v63  }
0xcf: {  	s30 =	simm.s32 $0x4F00  }
0xd0: {  	[spmem:s3] =	stream.indirect.scatter.add.f32 [tilespmem:s25], [sflag:$0x4], $0x40, s30, s17, $0xb8;
	[tilespmem:$0x1EE00] =	vst v63  }
0xd1: {  	s31 =	simm.s32 $0x4F80  }
0xd2: {  	[spmem:s3] =	stream.indirect.scatter.add.f32 [tilespmem:s26], [sflag:$0x4], $0x40, s31, s17, $0xb8;
	[tilespmem:$0x1EE00] =	vst v63  }
0xd3: {  	_ = 	snop  }
0xd4: {  	[tilespmem:s15], [sflag:$0x1] =	stream.indirect.gather [hbm4b:s2+s14], $0x40, s4, s14, $0xb8;
	[tilespmem:$0x1EE00] =	vst v63  }
0xd5: {  	_ =	swait.ge [sflag:s16], $0x8000  }
0xd6: {  	[sflag:s16] =	ssyncset.done $0x0  }
0xd7: {  	[sflag:s16] =	ssyncadd.s32 $0xFFFF8000  }
0xd8: {  	_ =	swait.ge [sflag:s28], $0x2000  }
0xd9: {  	[sflag:s28] =	ssyncset.done $0x0  }
0xda: {  	[sflag:s28] =	ssyncadd.s32 $0xFFFFE000  }
0xdb: {  	_ =	swait.ge [sflag:s28], $0x2000  }
0xdc: {  	[sflag:s28] =	ssyncset.done $0x0  }
0xdd: {  	[sflag:s28] =	ssyncadd.s32 $0xFFFFE000  }
0xde: {  	_ =	swait.ge [sflag:s28], $0x2000  }
0xdf: {  	[sflag:s28] =	ssyncset.done $0x0  }
0xe0: {  	[sflag:s28] =	ssyncadd.s32 $0xFFFFE000  }
0xe1: {  	_ =	swait.ge [sflag:s28], $0x2000  }
0xe2: {  	s1 =	sadd.s32 $0x1, s1;
	[sflag:s28] =	ssyncset.done $0x0  }
0xe3: {  	p0 =	sne.s32 s1, s9;
	[sflag:s28] =	ssyncadd.s32 $0xFFFFE000  }
.Ltmp1:
0xe4: {  	[bflag:$0x0] =	sbarrier.arrive $0xFFFF;
	(pc) =	sbr.rel @p0 .LBB2_1-.Ltmp1, $4  }
0xe5: {  	[hbm:s8], [sflag:s12] =	dma.local [spmem:s13], $0x13C0  }
0xe6: {  	_ =	swait.ge [sflag:s10], $0x13C0  }
0xe7: {  	[sflag:s10] =	ssyncset.done $0x0  }
0xe8: {  	[sflag:s10] =	ssyncadd.s32 $0xFFFFEC40  }
0xe9: {  	_ =	sfence.sel $0x180000  }
0xea: {  	[bflag:$0x0] =	sbarrier.arrive $0xFFFF  }
0xeb: {  	_ =	strace $0x9000004D  }
0xec: {  	s0 =	stileid.u32;
	[bflag:$0x2] =	sbarrier.arrive $0xFFFF  }
0xed: {  	p0 =	sne.s32 s0, $0x0;
	s0 =	rddreg [dreg:$0x3]  }
0xee: {  	s0 =	sadd.s32 @!p0 $0x100000, s0  }
0xef: {  	[sflag:s0] =	ssyncadd.tile.s32 @!p0 $0x1;
	_ =	shalt  }
.Lfunc_end2:
_tile_overlayer_lowered:
.L_overlay_start_2:
0xf0: {  	(tag) =	ssettag $0x2  }
0xf1: {  	s0 =	rddreg [dreg:$0x0];
	s2 =	stileid.u32  }
0xf2: {  	s1 =	rddreg [dreg:$0x1];
	p0 =	sne.s32 s2, $0x0  }
0xf3: {  	s3 =	rddreg [dreg:$0x2];
	[bflag:$0x3] =	sbarrier.arrive $0xFFFF;
	s2 =	simm.s32 @!p0 $0x1C05  }
0xf4: {  	[timem:s3], [sflag:s2] =	dma.local @!p0 [hbm:s0], s1  }
0xf5: {  	s0 =	simm.s32 @!p0 $0x5  }
0xf6: {  	_ =	swait.ge @!p0 [sflag:s0], s1  }
0xf7: {  	s1 =	ssub.s32 @!p0 $0x0, s1;
	[sflag:s0] =	ssyncset.done @!p0 $0x0  }
0xf8: {  	[sflag:s0] =	ssyncadd.s32 @!p0 s1  }
0xf9: {  	[bflag:$0x3] =	sbarrier.arrive $0xFFFF  }
0xfa: {  	_ =	shalt  }

// kernel: kernel.9.cloned.1.call-start
scs
__scs_entry_jumppad:
0x0: {  	(pc) =	sbr.rel $0x88, $3  }
0x1: {  	(tag) =	ssettag $0x0;
	lr =	simm.s32 $0x1  }
0x2: {  	[smem:$0x3F9B] =	sst lr;
	_ =	strace $0xD0000000  }
0x3: {  	_ = 	snop  }
0x4: {  	_ = 	snop  }
0x5: {  	_ = 	snop  }
0x6: {  	_ = 	snop  }
0x7: {  	_ = 	snop  }
__scs_overlays_trampoline_lowered:
0x8: {  	[smem:$0x3FAA] =	sst s0  }
0x9: {  	[smem:$0x3FAB] =	sst s1  }
0xa: {  	[smem:$0x3FAC] =	sst s2  }
0xb: {  	[smem:$0x3FAD] =	sst s3  }
0xc: {  	[smem:$0x3FAE] =	sst s4  }
0xd: {  	[smem:$0x3FAF] =	sst s5  }
0xe: {  	[smem:$0x3FB0] =	sst s6  }
0xf: {  	[smem:$0x3FB1] =	sst s7  }
0x10: {  	[smem:$0x3FB2] =	sst s8  }
0x11: {  	[smem:$0x3FB3] =	sst s9;
	s0 =	simm.s32 @!p0 $0x0  }
0x12: {  	s1 =	sld [smem:$0x3F99];
	s0 =	simm.s32 @p0 $0x1  }
0x13: {  	[smem:$0x3FB4] =	sst s0;
	s0 =	simm.s32 @!p1 $0x0  }
0x14: {  	s2 =	sld [smem:$0x3F98];
	s0 =	simm.s32 @p1 $0x1  }
0x15: {  	[smem:$0x3FB5] =	sst s0;
	s0 =	simm.s32 @!p2 $0x0  }
0x16: {  	s3 =	sld [smem:$0x3FDB];
	s0 =	simm.s32 @p2 $0x1  }
0x17: {  	s4 =	simm.s32 $0x1BF5;
	[smem:$0x3FB7] =	sst s0  }
0x18: {  	s0 =	sld [smem:$0x3F9A];
	_ =	swait.ge [sflag:s4], $0x0  }
0x19: {  	s7 =	sld [smem:$0x3F9B]  }
0x1a: {  	s8 =	sadd.s32 $0xFFFFE003, lr  }
0x1b: {  	s9 =	sadd.s32 $0xFFFFFEF7, lr;
	s5 =	simm.s32 $0xFFFFFFFF;
	p2 =	slt.u32 s8, $0xFFFFF086  }
0x1c: {  	p1 =	slt.u32 s9, $0xF7A;
	s5 =	simm.s32 @!p2 $0x0  }
0x1d: {  	s5 =	simm.s32 @p1 $0x1;
	p0 =	seq.s32 s7, s2  }
0x1e: {  	s7 =	smul.u32 @!p0 $0xF7A, s2;
	p2 =	seq.s32 @!p0 s5, $0x0  }
0x1f: {  	s9 =	smul.u32 $0xF7A, s1;
	s8 =	simm.s32 @!p0 $0x1BF5;
	p2 =	por !p2, p0  }
0x20: {  	[sflag:s8] =	ssyncset.s32 @!p0 $0xFFFFF086;
	s6 =	sadd.s32 @!p0 s3, s7;
	s7 =	simm.s32 @!p0 $0x108  }
0x21: {  	s3 =	sadd.s32 s3, s9;
	s6 =	sadd.s32 @!p0 $0x88, s6;
	s7 =	simm.s32 @p2 $0x1082  }
0x22: {  	[simem:s7], [sflag:s8] =	dma.local @!p0 [hbm:s6], $0xF7A  }
0x23: {  	s9 =	sor.u32 $0xD0000000, s2;
	s6 =	simm.s32 $0x108;
	_ =	swait.ge @!p0 [sflag:s8], $0x0  }
0x24: {  	s3 =	sadd.s32 $0x88, s3;
	s6 =	simm.s32 @!p1 $0x1082;
	[sflag:s4] =	ssyncset.s32 $0xFFFFF086  }
0x25: {  	[simem:s6], [sflag:s4] =	dma.local [hbm:s3], $0xF7A  }
0x26: {  	[smem:$0x3F9B] =	sst s1;
	(tag) =	ssettag s2;
	_ =	strace s9  }
0x27: {  	s1 =	sld [smem:$0x3FAB]  }
0x28: {  	s2 =	sld [smem:$0x3FAC]  }
0x29: {  	s4 =	sld [smem:$0x3FAE]  }
0x2a: {  	p0 =	seq.s32 s5, $0x0;
	s5 =	sld [smem:$0x3FAF]  }
0x2b: {  	s6 =	sld [smem:$0x3FB0]  }
0x2c: {  	s7 =	sld [smem:$0x3FB1]  }
0x2d: {  	s3 =	simm.s32 $0x108;
	s8 =	sld [smem:$0x3FB2]  }
0x2e: {  	s3 =	simm.s32 @!p0 $0x1082;
	s9 =	sld [smem:$0x3FB3]  }
0x2f: {  	lr =	sadd.s32 s0, s3;
	s0 =	sld [smem:$0x3FAA]  }
0x30: {  	s3 =	sld [smem:$0x3FAD]  }
0x31: {  	[smem:$0x3FB6] =	sst s10  }
0x32: {  	s10 =	sld [smem:$0x3FB4];
	_ =	sdelay $0x3  }
0x33: {  	p0 =	seq.s32 s10, $0x1;
	s10 =	sld [smem:$0x3FB6];
	_ =	sdelay $0x3  }
0x34: {  	[smem:$0x3FB6] =	sst s10  }
0x35: {  	s10 =	sld [smem:$0x3FB5];
	_ =	sdelay $0x3  }
0x36: {  	p1 =	seq.s32 s10, $0x1;
	s10 =	sld [smem:$0x3FB6];
	_ =	sdelay $0x3  }
0x37: {  	[smem:$0x3FB6] =	sst s10  }
0x38: {  	s10 =	sld [smem:$0x3FB7]  }
0x39: {  	_ = 	snop;
	(pc) =	sbr.ind lr, $3  }
0x3a: {  	_ = 	snop  }
0x3b: {  	_ = 	snop  }
0x3c: {  	p2 =	seq.s32 s10, $0x1;
	s10 =	sld [smem:$0x3FB6]  }
0x3d: {  	_ =	shalt  }
0x3e: {  	_ =	shalt  }
0x3f: {  	_ =	shalt  }
0x40: {  	_ =	shalt  }
0x41: {  	_ =	shalt  }
0x42: {  	_ =	shalt  }
0x43: {  	_ =	shalt  }
0x44: {  	_ =	shalt  }
0x45: {  	_ =	shalt  }
0x46: {  	_ =	shalt  }
0x47: {  	_ =	shalt  }
0x48: {  	_ =	shalt  }
0x49: {  	_ =	shalt  }
0x4a: {  	_ =	shalt  }
0x4b: {  	_ =	shalt  }
0x4c: {  	_ =	shalt  }
0x4d: {  	_ =	shalt  }
0x4e: {  	_ =	shalt  }
0x4f: {  	_ =	shalt  }
0x50: {  	_ =	shalt  }
0x51: {  	_ =	shalt  }
0x52: {  	_ =	shalt  }
0x53: {  	_ =	shalt  }
0x54: {  	_ =	shalt  }
0x55: {  	_ =	shalt  }
0x56: {  	_ =	shalt  }
0x57: {  	_ =	shalt  }
0x58: {  	_ =	shalt  }
0x59: {  	_ =	shalt  }
0x5a: {  	_ =	shalt  }
0x5b: {  	_ =	shalt  }
0x5c: {  	_ =	shalt  }
0x5d: {  	_ =	shalt  }
0x5e: {  	_ =	shalt  }
0x5f: {  	_ =	shalt  }
0x60: {  	_ =	shalt  }
0x61: {  	_ =	shalt  }
0x62: {  	_ =	shalt  }
0x63: {  	_ =	shalt  }
0x64: {  	_ =	shalt  }
0x65: {  	_ =	shalt  }
0x66: {  	_ =	shalt  }
0x67: {  	_ =	shalt  }
0x68: {  	_ =	shalt  }
0x69: {  	_ =	shalt  }
0x6a: {  	_ =	shalt  }
0x6b: {  	_ =	shalt  }
0x6c: {  	_ =	shalt  }
0x6d: {  	_ =	shalt  }
0x6e: {  	_ =	shalt  }
0x6f: {  	_ =	shalt  }
0x70: {  	_ =	shalt  }
0x71: {  	_ =	shalt  }
0x72: {  	_ =	shalt  }
0x73: {  	_ =	shalt  }
0x74: {  	_ =	shalt  }
0x75: {  	_ =	shalt  }
0x76: {  	_ =	shalt  }
0x77: {  	_ =	shalt  }
0x78: {  	_ =	shalt  }
0x79: {  	_ =	shalt  }
0x7a: {  	_ =	shalt  }
0x7b: {  	_ =	shalt  }
0x7c: {  	_ =	shalt  }
0x7d: {  	_ =	shalt  }
0x7e: {  	_ =	shalt  }
0x7f: {  	_ =	shalt  }
0x80: {  	_ =	shalt  }
0x81: {  	_ =	shalt  }
0x82: {  	_ =	shalt  }
0x83: {  	_ =	shalt  }
0x84: {  	_ =	shalt  }
0x85: {  	_ =	shalt  }
0x86: {  	_ =	shalt  }
0x87: {  	_ =	shalt  }
.Lfunc_end0:
.L_simem_size_0:
called_computation_lowered:
.L_overlay_start_0:
0x88: {  	s2 =	sld [smem:$0x3FD9]  }
0x89: {  	s3 =	sld [smem:$0x3FFE];
	_ =	sdelay $0x1  }
0x8a: {  	s1 =	srdreg.scid  }
0x8b: {  	s0 =	sand.u32 $0x1, s1  }
0x8c: {  	s17 =	sshll.u32 s0, $0xA;
	s2 =	sadd.s32 s3, s2  }
0x8d: {  	s2 =	sadd.s32 s2, s17  }
0x8e: {  	[smem:$0x3FC2] =	sst s2  }
0x8f: {  	_ = 	snop  }
0x90: {  	s2 =	sld [smem:$0x3FD0];
	(tm) =	ssettm $0x1  }
0x91: {  	s18 =	sld [smem:$0x3FFB];
	_ =	sdelay $0x3  }
0x92: {  	_ =	strace s18  }
0x93: {  	s3 =	sld [smem:$0x3FFC];
	_ =	sdelay $0x3  }
0x94: {  	_ =	strace s3  }
0x95: {  	s3 =	sld [smem:$0x3FFD];
	_ =	sdelay $0x3  }
0x96: {  	_ =	strace s3  }
0x97: {  	_ =	strace $0x8FFFFFFF  }
0x98: {  	s19 =	sld [smem:$0x3FDB];
	_ =	sdelay $0x1  }
0x99: {  	s4 =	simm.s32 $_scs_section_size  }
0x9a: {  	s5 =	simm.s32 $_size__tile_overlayer_lowered;
	s6 =	simm.s32 $_tile_overlayer_lowered  }
0x9b: {  	s22 =	simm.s32 $0x1BFF;
	s21 =	sshll.u32 s6, $0x1;
	s3 =	sadd.s32 s4, s19  }
0x9c: {  	s7 =	simm.s32 $0x0;
	s20 =	sshll.u32 s5, $0x1;
	s5 =	sadd.s32 s21, s3  }
0x9d: {  	[timem:s7], [sflag:s22] =	dma.local [hbm:s5], s20  }
0x9e: {  	_ =	swait.ge [sflag:s22], s20  }
0x9f: {  	s4 =	ssub.s32 $0x0, s20;
	[sflag:s22] =	ssyncset.done $0x0  }
0xa0: {  	[sflag:s22] =	ssyncadd.s32 s4;
	_ =	sdelay $0x1  }
0xa1: {  	s23 =	simm.s32 $0x1B8B  }
0xa2: {  	_ =	swait.ge [sflag:s23], $0x1  }
0xa3: {  	[sflag:s23] =	ssyncset.done $0x0  }
0xa4: {  	s25 =	simm.s32 $0x1B8E;
	s24 =	sld [smem:$0x3FFE];
	[sflag:s23] =	ssyncadd.s32 $0xFFFFFFFF  }
0xa5: {  	s26 =	simm.s32 $execute0_lowered;
	[smem:$0x3FD2] =	sst s25  }
0xa6: {  	s5 =	sshll.u32 s26, $0x1;
	_ =	strace $0x80000046;
	[dreg:$0x1] =	wrdreg $0xFFFFFFFF  }
0xa7: {  	s28 =	simm.s32 $_size_execute0_lowered;
	s3 =	sadd.s32 s3, s5;
	[dreg:$0x0] =	wrdreg $0x0  }
0xa8: {  	s5 =	sshll.u32 s28, $0x1;
	[dreg:$0x2] =	wrdreg s3  }
0xa9: {  	[dreg:$0x3] =	wrdreg s5  }
0xaa: {  	[dreg:$0x4] =	wrdreg $0xC0  }
0xab: {  	_ =	task [dreg:s7], $0x5FFFF  }
0xac: {  	[dreg:$0x1] =	wrdreg $0xFFFFFFFF  }
0xad: {  	[dreg:$0x0] =	wrdreg $0x60  }
0xae: {  	[dreg:$0x2] =	wrdreg s2  }
0xaf: {  	[dreg:$0x3] =	wrdreg s24  }
0xb0: {  	[dreg:$0x4] =	wrdreg $0x9  }
0xb1: {  	_ =	task.clear_ibuf [dreg:s7], $0x5FFFF;
	_ =	strace $0x90000046  }
0xb2: {  	s29 =	simm.s32 $0x9;
	_ =	strace $0x80000048  }
0xb3: {  	_ =	swait.ge [sflag:s29], $0x1  }
0xb4: {  	[sflag:s29] =	ssyncadd.s32 $0xFFFFFFFF  }
0xb5: {  	_ =	strace $0x90000048  }
0xb6: {  	_ =	sfence  }
0xb7: {  	s30 =	sld [smem:$0x0];
	_ =	sdelay $0x2  }
0xb8: {  	s31 =	sshll.u32 s1, $0xD;
	s1 =	sshrl.u32 s1, $0x2  }
0xb9: {  	s3 =	sand.u32 $0x4000, s31;
	s1 =	sadd.s32 s1, s30  }
0xba: {  	s0 =	sor.u32 s3, s0;
	s1 =	sshll.u32 s1, $0x11  }
0xbb: {  	s0 =	sor.u32 s1, s0  }
0xbc: {  	s0 =	sadd.s32 $0x8F2B, s0  }
0xbd: {  	[sflag:s0] =	ssyncadd.remote.s32 $0x1  }
0xbe: {  	_ =	sfence.sel $0xFFFF  }
0xbf: {  	[dreg:$0x0] =	wrdreg $0xFFFFFFFF;
	(pc) =	sbr.abs _section_cstart, $3  }
0xc0: {  	[dreg:$0x1] =	wrdreg $0xFFFFFFFF  }
0xc1: {  	_ =	task.clear_ibuf [dreg:s7], $0x2FFFF;
	_ =	strace $0x9FFFFFFF  }
0xc2: {  	(tm) =	ssettm $0x7FFFFFFF  }
0xc3: {  	_ =	shalt  }
tec
execute0_lowered:
.L_overlay_start_1:
0x0: {  	(tag) =	ssettag $0x1  }
0x1: {  	s0 =	srdreg.scid  }
0x2: {  	s3 =	sand.u32 $0x1, s0  }
0x3: {  	s4 =	rddreg [dreg:$0x0];
	s0 =	stileid.u32;
	s1 =	sshll.u32 s3, $0x4  }
0x4: {  	s5 =	rddreg [dreg:$0x1];
	s9 =	simm.s32 $0x2800;
	s2 =	sor.u32 s0, s1  }
0x5: {  	s10 =	simm.s32 $0x0;
	s7 =	sshll.u32 s0, $0x7;
	s6 =	sshrl.u32 s2, $0x3  }
0x6: {  	s3 =	ssub.s32 $0x2, s3;
	s1 =	rddreg [dreg:$0x2];
	s8 =	smul.u32 $0x13C00, s6  }
0x7: {  	s7 =	sand.u32 $0x380, s7;
	s2 =	simm.s32 $0x0;
	s6 =	smul.u32 $0x14000, s6  }
0x8: {  	s31 =	sshrl.u32 s3, $0x1;
	[smem:$0x7FF] =	sst s2;
	s8 =	sor.u32 s7, s8  }
0x9: {  	_ =	strace $0x80000047;
	s6 =	sor.u32 s7, s6;
	s8 =	sshrl.u32 s8, $0x3  }
0xa: {  	s7 =	ssub.s32 s3, s31;
	s6 =	sshrl.u32 s6, $0x3;
	s5 =	sadd.s32 s8, s5  }
0xb: {  	s3 =	sadd.s32 s4, s6;
	s6 =	simm.s32 $0x80;
	s8 =	simm.s32 $0x1  }
0xc: {  	v0 =	vimm.f32 $0.0e+00;
	v1 =	vimm.f32 $1.000000000e+00;
	s4 =	sadd.s32 $0x15E00, s5;
	s5 =	smax.u32 s7, $0x1;
	s7 =	simm.s32 $0x400  }
.LBB2_1:
0xd: {  	[tilespmem:s2], [sflag:$0x1] =	stream.strided.gather [hbm4b:s3+s6], $0x2800, s7, s6, $0x38;
	[tilespmem:$0x4F80] =	vst v63  }
0xe: {  	_ =	swait.ge [sflag:s8], $0x2800  }
0xf: {  	[sflag:s8] =	ssyncset.done $0x0  }
0x10: {  	s11 =	simm.s32 $0x0;
	[sflag:s8] =	ssyncadd.s32 $0xFFFFD800  }
.LBB2_2:
0x11: {  	p0 =	sne.s32 s11, $0x9DC0  }
.Ltmp0:
0x12: {  	_ = 	snop;
	(pc) =	sbr.rel @p0 .LBB2_2-.Ltmp0, $3  }
0x13: {  	_ =	sdelay $0x1  }
0x14: {  	s12 =	sshra.s32 s11, $0x2  }
0x15: {  	s11 =	sadd.s32 $0x40, s11;
	[tilespmem:s12+$0x2800] =	vst v0  }
0x16: {  	s12 =	simm.s32 $0x0;
	s11 =	simm.s32 $0x40  }
.LBB2_4:
0x17: {  	p0 =	sne.s32 s11, $0x9FC0;
	v2 =	vld [tilespmem:s12+$0x0];
	_ =	sdelay $0x3  }
.Ltmp1:
0x18: {  	(pc) =	sbr.rel @p0 .LBB2_4-.Ltmp1, $2  }
0x19: {  	_ =	sdelay $0x2  }
0x1a: {  	s12 =	sshra.s32 s11, $0x2;
	s11 =	sadd.s32 $0x40, s11;
	[tilespmem:v2+s9+$0x0] =	vst.idx.add.f32.msk $0xffff, v1  }
0x1b: {  	v2 =	vld [tilespmem:s12+$0x0];
	_ =	sdelay $0x5  }
0x1c: {  	s10 =	sadd.s32 $0x1, s10  }
0x1d: {  	p0 =	sne.s32 s10, s5  }
.Ltmp2:
0x1e: {  	[tilespmem:v2+s9+$0x0] =	vst.idx.add.f32.msk $0xffff, v1;
	(pc) =	sbr.rel @p0 .LBB2_1-.Ltmp2, $4  }
0x1f: {  	[hbm4b:s4+s6] =	stream.strided.scatter [tilespmem:s9], [sflag:$0x1], $0x2780, s7, s6, $0x38;
	[tilespmem:$0x4F80] =	vst v63  }
0x20: {  	_ =	swait.ge [sflag:s8], $0x2780  }
0x21: {  	[sflag:s8] =	ssyncset.done $0x0  }
0x22: {  	[sflag:s8] =	ssyncadd.s32 $0xFFFFD880  }
0x23: {  	_ =	sfence.sel $0x180000  }
0x24: {  	[bflag:$0x0] =	sbarrier.arrive $0xFFFF  }
0x25: {  	p0 =	sne.s32 s0, $0x0;
	_ =	strace $0x90000047  }
0x26: {  	s0 =	sadd.s32 @!p0 $0x100000, s1;
	[bflag:$0x2] =	sbarrier.arrive $0xFFFF  }
0x27: {  	[sflag:s0] =	ssyncadd.tile.s32 @!p0 $0x1;
	_ =	shalt  }
.Lfunc_end2:
_tile_overlayer_lowered:
.L_overlay_start_2:
0x28: {  	(tag) =	ssettag $0x2  }
0x29: {  	s0 =	rddreg [dreg:$0x0];
	s2 =	stileid.u32  }
0x2a: {  	s1 =	rddreg [dreg:$0x1];
	p0 =	sne.s32 s2, $0x0  }
0x2b: {  	s3 =	rddreg [dreg:$0x2];
	[bflag:$0x3] =	sbarrier.arrive $0xFFFF;
	s2 =	simm.s32 @!p0 $0x1C01  }
0x2c: {  	[timem:s3], [sflag:s2] =	dma.local @!p0 [hbm:s0], s1  }
0x2d: {  	s0 =	simm.s32 @!p0 $0x1  }
0x2e: {  	_ =	swait.ge @!p0 [sflag:s0], s1  }
0x2f: {  	s1 =	ssub.s32 @!p0 $0x0, s1;
	[sflag:s0] =	ssyncset.done @!p0 $0x0  }
0x30: {  	[sflag:s0] =	ssyncadd.s32 @!p0 s1  }
0x31: {  	[bflag:$0x3] =	sbarrier.arrive $0xFFFF  }
0x32: {  	_ =	shalt  }

</sc_bundles>
